<compile_context>
chip_gen: v7x
topology: tpu7x:2x2x1
jax: 0.10.2.dev20260603
libtpu: 0.0.44.dev20260713+nightly
codegen_flags: <defaults>
</compile_context>

<pallas_src>
import jax
import jax.numpy as jnp
from jax import lax
from jax.experimental import pallas as pl
from jax.experimental.pallas import tpu as pltpu
from jax.experimental.pallas import tpu_sc as plsc

_EMB = 32
_G = 256
_NBUF = 10
_D = 5


def _emb_gather_body(idx_hbm, table_hbm, out_hbm, idx_v, rows_v, gsems, wsems):
    nc = 2
    wid = lax.axis_index("s") * nc + lax.axis_index("c")
    nchunk = idx_v.shape[0]
    row_base = wid * (nchunk * _G)

    def gather_desc(j, b):
        return pltpu.make_async_copy(
            table_hbm.at[idx_v.at[j]], rows_v.at[b], gsems.at[b])

    def write_desc(j, b):
        return pltpu.make_async_copy(
            rows_v.at[b], out_hbm.at[pl.ds(row_base + j * _G, _G)],
            wsems.at[b])

    pltpu.sync_copy(idx_hbm.at[wid], idx_v)

    for t in range(_D):
        gather_desc(t, t).start()

    def group(g, carry):
        for b in range(_NBUF):
            j = g * _NBUF + b
            gather_desc(j, b).wait()
            write_desc(j, b).start()
            j2 = j + _D
            b2 = (b + _D) % _NBUF

            @pl.when(j2 < nchunk)
            def _():
                @pl.when(j2 >= _NBUF)
                def _():
                    write_desc(j2 - _NBUF, b2).wait()

                gather_desc(j2, b2).start()

        return carry

    lax.fori_loop(0, nchunk // _NBUF, group, 0)

    for b in range(_NBUF):
        write_desc(nchunk - _NBUF + b, b).wait()


def kernel(idx, emb_mat):
    b, s = idx.shape
    n = b * s
    info = plsc.get_sparse_core_info()
    nw = info.num_cores * info.num_subcores
    nchunk = n // (nw * _G)
    assert nchunk * nw * _G == n and nchunk % _NBUF == 0
    idx_r = idx.reshape(nw, nchunk, _G).astype(jnp.int32)

    k = pl.kernel(
        _emb_gather_body,
        out_type=jax.ShapeDtypeStruct((n, _EMB), jnp.float32),
        mesh=plsc.VectorSubcoreMesh(core_axis_name="c", subcore_axis_name="s"),
        compiler_params=pltpu.CompilerParams(use_tc_tiling_on_sc=False),
        scratch_types=[
            pltpu.VMEM((nchunk, _G), jnp.int32),
            pltpu.VMEM((_NBUF, _G, _EMB), jnp.float32),
            pltpu.SemaphoreType.DMA((_NBUF,)),
            pltpu.SemaphoreType.DMA((_NBUF,)),
        ],
    )
    out = k(idx_r, emb_mat)
    return out.reshape(b, s, _EMB)

# --- scband reference (transcript-rebuilt; emitter-appended) ---
"""Pipeline reference for scband-embedding-88725434401225 (READ-ONLY COPY).

The authoritative reference and input builder live on the scoring server;
editing this copy changes nothing except your own understanding.
"""

import jax, jax.numpy as jnp
import numpy as np

VOCAB = 1000000
EMB = 32

def setup_inputs(seed: int = 0) -> dict:
    key = jax.random.key(seed)
    k_idx, k_emb = jax.random.split(key)
    idx = jax.random.randint(k_idx, (16384, 50), 0, VOCAB, dtype=jnp.int64 if jax.config.jax_enable_x64 else jnp.int32)
    emb_mat = jax.random.normal(k_emb, (VOCAB, EMB), dtype=jnp.float32)
    return {"idx": idx, "emb_mat": emb_mat}

def reference(idx, emb_mat):
    # Faithful translation of: return self.emb_mat[idx]
    return jnp.take(emb_mat, idx, axis=0)

if __name__ == "__main__":
    import jax
    _d = setup_inputs()
    print(jax.jit(kernel)(*tuple(_d.values())))

</pallas_src>

<mosaic_0001>
#map = affine_map<(d0, d1) -> (0, 0, 0)>
#map1 = affine_map<(d0, d1) -> (0, 0)>
module attributes {stable_mosaic.version = 14 : i64} {
  func.func @_emb_gather_body(%arg0: i32, %arg1: i32, %arg2: memref<32x100x256xi32, #tpu.memory_space<hbm>>, %arg3: memref<1000000x32xf32, #tpu.memory_space<hbm>>, %arg4: memref<819200x32xf32, #tpu.memory_space<hbm>>, %arg5: memref<100x256xi32, #tpu.memory_space<vmem>>, %arg6: memref<10x256x32xf32, #tpu.memory_space<vmem>>, %arg7: memref<10x!tpu.dma_semaphore, #tpu.memory_space<semaphore_mem>>, %arg8: memref<10x!tpu.dma_semaphore, #tpu.memory_space<semaphore_mem>>) attributes {dimension_semantics = [#tpu.dimension_semantics<core_parallel>, #tpu.dimension_semantics<subcore_parallel>], iteration_bounds = array<i64: 2, 16>, scalar_prefetch = 0 : i64, scratch_operands = 4 : i64, tpu.core_type = #tpu.core_type<sc_vector_subcore>, window_params = [{transform_indices = #map}, {transform_indices = #map1}, {transform_indices = #map1}]} {
    %mul3A = arith.constant 2 : i32
    %mul3A_0 = arith.muli %arg1, %mul3A : i32
    %add3A = arith.addi %mul3A_0, %arg0 : i32
    %mul3A_1 = arith.constant 25600 : i32
    %mul3A_2 = arith.muli %add3A, %mul3A_1 : i32
    "tpu.region"() ({
      %run_scoped3A = tpu.sem_alloc : memref<!tpu.dma_semaphore, #tpu.memory_space<semaphore_mem>>
      %dma_start3A_261 = arith.constant 0 : i32
      %dma_start3A_262 = arith.constant 0 : i32
      %dma_start3A_263 = tpu.memref_slice %arg2[%add3A, %dma_start3A_261, %dma_start3A_262] : memref<32x100x256xi32, #tpu.memory_space<hbm>> -> memref<1x100x256xi32, #tpu.memory_space<hbm>>
      %dma_start3A_264 = tpu.memref_squeeze %dma_start3A_263 : memref<1x100x256xi32, #tpu.memory_space<hbm>> -> memref<100x256xi32, #tpu.memory_space<hbm>>
      %dma_start3A_265 = arith.constant 0 : i32
      %dma_start3A_266 = arith.constant 0 : i32
      %dma_start3A_267 = tpu.memref_slice %arg2[%add3A, %dma_start3A_265, %dma_start3A_266] : memref<32x100x256xi32, #tpu.memory_space<hbm>> -> memref<1x100x256xi32, #tpu.memory_space<hbm>>
      %dma_start3A_268 = tpu.memref_squeeze %dma_start3A_267 : memref<1x100x256xi32, #tpu.memory_space<hbm>> -> memref<100x256xi32, #tpu.memory_space<hbm>>
      tpu.enqueue_dma source(%dma_start3A_268 : memref<100x256xi32, #tpu.memory_space<hbm>>) target(%arg5 : memref<100x256xi32, #tpu.memory_space<vmem>>) target_semaphore(%run_scoped3A : memref<!tpu.dma_semaphore, #tpu.memory_space<semaphore_mem>>)
      %dma_wait3A_269 = arith.constant 0 : i32
      %dma_wait3A_270 = arith.constant 0 : i32
      %dma_wait3A_271 = tpu.memref_slice %arg2[%add3A, %dma_wait3A_269, %dma_wait3A_270] : memref<32x100x256xi32, #tpu.memory_space<hbm>> -> memref<1x100x256xi32, #tpu.memory_space<hbm>>
      %dma_wait3A_272 = tpu.memref_squeeze %dma_wait3A_271 : memref<1x100x256xi32, #tpu.memory_space<hbm>> -> memref<100x256xi32, #tpu.memory_space<hbm>>
      %dma_wait3A_273 = arith.constant 0 : i32
      %dma_wait3A_274 = arith.constant 0 : i32
      %dma_wait3A_275 = tpu.memref_slice %arg2[%add3A, %dma_wait3A_273, %dma_wait3A_274] : memref<32x100x256xi32, #tpu.memory_space<hbm>> -> memref<1x100x256xi32, #tpu.memory_space<hbm>>
      %dma_wait3A_276 = tpu.memref_squeeze %dma_wait3A_275 : memref<1x100x256xi32, #tpu.memory_space<hbm>> -> memref<100x256xi32, #tpu.memory_space<hbm>>
      tpu.wait_dma2 semaphore(%run_scoped3A : memref<!tpu.dma_semaphore, #tpu.memory_space<semaphore_mem>>) src(%dma_wait3A_276 : memref<100x256xi32, #tpu.memory_space<hbm>>) dst(%arg5 : memref<100x256xi32, #tpu.memory_space<vmem>>)
      tpu.yield
    }) : () -> ()
    %dma_start3A = arith.constant 0 : i32
    %dma_start3A_3 = arith.constant 0 : i32
    %dma_start3A_4 = arith.constant 0 : i32
    %dma_start3A_5 = arith.constant 0 : i32
    %dma_start3A_6 = arith.constant 0 : i32
    %dma_start3A_7 = tpu.memref_slice %arg6[%dma_start3A_3, %dma_start3A_5, %dma_start3A_6] : memref<10x256x32xf32, #tpu.memory_space<vmem>> -> memref<1x256x32xf32, #tpu.memory_space<vmem>>
    %dma_start3A_8 = tpu.memref_squeeze %dma_start3A_7 : memref<1x256x32xf32, #tpu.memory_space<vmem>> -> memref<256x32xf32, #tpu.memory_space<vmem>>
    %dma_start3A_9 = arith.constant 0 : i32
    %dma_start3A_10 = tpu.memref_slice %arg5[%dma_start3A, %dma_start3A_9] : memref<100x256xi32, #tpu.memory_space<vmem>> -> memref<1x256xi32, #tpu.memory_space<vmem>>
    %dma_start3A_11 = tpu.memref_squeeze %dma_start3A_10 : memref<1x256xi32, #tpu.memory_space<vmem>> -> memref<256xi32, #tpu.memory_space<vmem>>
    %dma_start3A_12 = arith.constant 0 : i32
    %dma_start3A_13 = arith.constant 0 : i32
    %dma_start3A_14 = tpu.memref_slice %arg3[%dma_start3A_12, %dma_start3A_13] : memref<1000000x32xf32, #tpu.memory_space<hbm>> -> memref<1000000x32xf32, #tpu.memory_space<hbm>>
    %dma_start3A_15 = tpu.memref_slice %arg7[%dma_start3A_4] : memref<10x!tpu.dma_semaphore, #tpu.memory_space<semaphore_mem>> -> memref<1x!tpu.dma_semaphore, #tpu.memory_space<semaphore_mem>>
    %dma_start3A_16 = tpu.memref_squeeze %dma_start3A_15 : memref<1x!tpu.dma_semaphore, #tpu.memory_space<semaphore_mem>> -> memref<!tpu.dma_semaphore, #tpu.memory_space<semaphore_mem>>
    tpu.enqueue_indirect_dma source(%dma_start3A_14 : memref<1000000x32xf32, #tpu.memory_space<hbm>>) target(%dma_start3A_8 : memref<256x32xf32, #tpu.memory_space<vmem>>) offsets(%dma_start3A_11 : memref<256xi32, #tpu.memory_space<vmem>>) semaphore(%dma_start3A_16 : memref<!tpu.dma_semaphore, #tpu.memory_space<semaphore_mem>>)
    %dma_start3A_17 = arith.constant 1 : i32
    %dma_start3A_18 = arith.constant 1 : i32
    %dma_start3A_19 = arith.constant 1 : i32
    %dma_start3A_20 = arith.constant 0 : i32
    %dma_start3A_21 = arith.constant 0 : i32
    %dma_start3A_22 = tpu.memref_slice %arg6[%dma_start3A_18, %dma_start3A_20, %dma_start3A_21] : memref<10x256x32xf32, #tpu.memory_space<vmem>> -> memref<1x256x32xf32, #tpu.memory_space<vmem>>
    %dma_start3A_23 = tpu.memref_squeeze %dma_start3A_22 : memref<1x256x32xf32, #tpu.memory_space<vmem>> -> memref<256x32xf32, #tpu.memory_space<vmem>>
    %dma_start3A_24 = arith.constant 0 : i32
    %dma_start3A_25 = tpu.memref_slice %arg5[%dma_start3A_17, %dma_start3A_24] : memref<100x256xi32, #tpu.memory_space<vmem>> -> memref<1x256xi32, #tpu.memory_space<vmem>>
    %dma_start3A_26 = tpu.memref_squeeze %dma_start3A_25 : memref<1x256xi32, #tpu.memory_space<vmem>> -> memref<256xi32, #tpu.memory_space<vmem>>
    %dma_start3A_27 = arith.constant 0 : i32
    %dma_start3A_28 = arith.constant 0 : i32
    %dma_start3A_29 = tpu.memref_slice %arg3[%dma_start3A_27, %dma_start3A_28] : memref<1000000x32xf32, #tpu.memory_space<hbm>> -> memref<1000000x32xf32, #tpu.memory_space<hbm>>
    %dma_start3A_30 = tpu.memref_slice %arg7[%dma_start3A_19] : memref<10x!tpu.dma_semaphore, #tpu.memory_space<semaphore_mem>> -> memref<1x!tpu.dma_semaphore, #tpu.memory_space<semaphore_mem>>
    %dma_start3A_31 = tpu.memref_squeeze %dma_start3A_30 : memref<1x!tpu.dma_semaphore, #tpu.memory_space<semaphore_mem>> -> memref<!tpu.dma_semaphore, #tpu.memory_space<semaphore_mem>>
    tpu.enqueue_indirect_dma source(%dma_start3A_29 : memref<1000000x32xf32, #tpu.memory_space<hbm>>) target(%dma_start3A_23 : memref<256x32xf32, #tpu.memory_space<vmem>>) offsets(%dma_start3A_26 : memref<256xi32, #tpu.memory_space<vmem>>) semaphore(%dma_start3A_31 : memref<!tpu.dma_semaphore, #tpu.memory_space<semaphore_mem>>)
    %dma_start3A_32 = arith.constant 2 : i32
    %dma_start3A_33 = arith.constant 2 : i32
    %dma_start3A_34 = arith.constant 2 : i32
    %dma_start3A_35 = arith.constant 0 : i32
    %dma_start3A_36 = arith.constant 0 : i32
    %dma_start3A_37 = tpu.memref_slice %arg6[%dma_start3A_33, %dma_start3A_35, %dma_start3A_36] : memref<10x256x32xf32, #tpu.memory_space<vmem>> -> memref<1x256x32xf32, #tpu.memory_space<vmem>>
    %dma_start3A_38 = tpu.memref_squeeze %dma_start3A_37 : memref<1x256x32xf32, #tpu.memory_space<vmem>> -> memref<256x32xf32, #tpu.memory_space<vmem>>
    %dma_start3A_39 = arith.constant 0 : i32
    %dma_start3A_40 = tpu.memref_slice %arg5[%dma_start3A_32, %dma_start3A_39] : memref<100x256xi32, #tpu.memory_space<vmem>> -> memref<1x256xi32, #tpu.memory_space<vmem>>
    %dma_start3A_41 = tpu.memref_squeeze %dma_start3A_40 : memref<1x256xi32, #tpu.memory_space<vmem>> -> memref<256xi32, #tpu.memory_space<vmem>>
    %dma_start3A_42 = arith.constant 0 : i32
    %dma_start3A_43 = arith.constant 0 : i32
    %dma_start3A_44 = tpu.memref_slice %arg3[%dma_start3A_42, %dma_start3A_43] : memref<1000000x32xf32, #tpu.memory_space<hbm>> -> memref<1000000x32xf32, #tpu.memory_space<hbm>>
    %dma_start3A_45 = tpu.memref_slice %arg7[%dma_start3A_34] : memref<10x!tpu.dma_semaphore, #tpu.memory_space<semaphore_mem>> -> memref<1x!tpu.dma_semaphore, #tpu.memory_space<semaphore_mem>>
    %dma_start3A_46 = tpu.memref_squeeze %dma_start3A_45 : memref<1x!tpu.dma_semaphore, #tpu.memory_space<semaphore_mem>> -> memref<!tpu.dma_semaphore, #tpu.memory_space<semaphore_mem>>
    tpu.enqueue_indirect_dma source(%dma_start3A_44 : memref<1000000x32xf32, #tpu.memory_space<hbm>>) target(%dma_start3A_38 : memref<256x32xf32, #tpu.memory_space<vmem>>) offsets(%dma_start3A_41 : memref<256xi32, #tpu.memory_space<vmem>>) semaphore(%dma_start3A_46 : memref<!tpu.dma_semaphore, #tpu.memory_space<semaphore_mem>>)
    %dma_start3A_47 = arith.constant 3 : i32
    %dma_start3A_48 = arith.constant 3 : i32
    %dma_start3A_49 = arith.constant 3 : i32
    %dma_start3A_50 = arith.constant 0 : i32
    %dma_start3A_51 = arith.constant 0 : i32
    %dma_start3A_52 = tpu.memref_slice %arg6[%dma_start3A_48, %dma_start3A_50, %dma_start3A_51] : memref<10x256x32xf32, #tpu.memory_space<vmem>> -> memref<1x256x32xf32, #tpu.memory_space<vmem>>
    %dma_start3A_53 = tpu.memref_squeeze %dma_start3A_52 : memref<1x256x32xf32, #tpu.memory_space<vmem>> -> memref<256x32xf32, #tpu.memory_space<vmem>>
    %dma_start3A_54 = arith.constant 0 : i32
    %dma_start3A_55 = tpu.memref_slice %arg5[%dma_start3A_47, %dma_start3A_54] : memref<100x256xi32, #tpu.memory_space<vmem>> -> memref<1x256xi32, #tpu.memory_space<vmem>>
    %dma_start3A_56 = tpu.memref_squeeze %dma_start3A_55 : memref<1x256xi32, #tpu.memory_space<vmem>> -> memref<256xi32, #tpu.memory_space<vmem>>
    %dma_start3A_57 = arith.constant 0 : i32
    %dma_start3A_58 = arith.constant 0 : i32
    %dma_start3A_59 = tpu.memref_slice %arg3[%dma_start3A_57, %dma_start3A_58] : memref<1000000x32xf32, #tpu.memory_space<hbm>> -> memref<1000000x32xf32, #tpu.memory_space<hbm>>
    %dma_start3A_60 = tpu.memref_slice %arg7[%dma_start3A_49] : memref<10x!tpu.dma_semaphore, #tpu.memory_space<semaphore_mem>> -> memref<1x!tpu.dma_semaphore, #tpu.memory_space<semaphore_mem>>
    %dma_start3A_61 = tpu.memref_squeeze %dma_start3A_60 : memref<1x!tpu.dma_semaphore, #tpu.memory_space<semaphore_mem>> -> memref<!tpu.dma_semaphore, #tpu.memory_space<semaphore_mem>>
    tpu.enqueue_indirect_dma source(%dma_start3A_59 : memref<1000000x32xf32, #tpu.memory_space<hbm>>) target(%dma_start3A_53 : memref<256x32xf32, #tpu.memory_space<vmem>>) offsets(%dma_start3A_56 : memref<256xi32, #tpu.memory_space<vmem>>) semaphore(%dma_start3A_61 : memref<!tpu.dma_semaphore, #tpu.memory_space<semaphore_mem>>)
    %dma_start3A_62 = arith.constant 4 : i32
    %dma_start3A_63 = arith.constant 4 : i32
    %dma_start3A_64 = arith.constant 4 : i32
    %dma_start3A_65 = arith.constant 0 : i32
    %dma_start3A_66 = arith.constant 0 : i32
    %dma_start3A_67 = tpu.memref_slice %arg6[%dma_start3A_63, %dma_start3A_65, %dma_start3A_66] : memref<10x256x32xf32, #tpu.memory_space<vmem>> -> memref<1x256x32xf32, #tpu.memory_space<vmem>>
    %dma_start3A_68 = tpu.memref_squeeze %dma_start3A_67 : memref<1x256x32xf32, #tpu.memory_space<vmem>> -> memref<256x32xf32, #tpu.memory_space<vmem>>
    %dma_start3A_69 = arith.constant 0 : i32
    %dma_start3A_70 = tpu.memref_slice %arg5[%dma_start3A_62, %dma_start3A_69] : memref<100x256xi32, #tpu.memory_space<vmem>> -> memref<1x256xi32, #tpu.memory_space<vmem>>
    %dma_start3A_71 = tpu.memref_squeeze %dma_start3A_70 : memref<1x256xi32, #tpu.memory_space<vmem>> -> memref<256xi32, #tpu.memory_space<vmem>>
    %dma_start3A_72 = arith.constant 0 : i32
    %dma_start3A_73 = arith.constant 0 : i32
    %dma_start3A_74 = tpu.memref_slice %arg3[%dma_start3A_72, %dma_start3A_73] : memref<1000000x32xf32, #tpu.memory_space<hbm>> -> memref<1000000x32xf32, #tpu.memory_space<hbm>>
    %dma_start3A_75 = tpu.memref_slice %arg7[%dma_start3A_64] : memref<10x!tpu.dma_semaphore, #tpu.memory_space<semaphore_mem>> -> memref<1x!tpu.dma_semaphore, #tpu.memory_space<semaphore_mem>>
    %dma_start3A_76 = tpu.memref_squeeze %dma_start3A_75 : memref<1x!tpu.dma_semaphore, #tpu.memory_space<semaphore_mem>> -> memref<!tpu.dma_semaphore, #tpu.memory_space<semaphore_mem>>
    tpu.enqueue_indirect_dma source(%dma_start3A_74 : memref<1000000x32xf32, #tpu.memory_space<hbm>>) target(%dma_start3A_68 : memref<256x32xf32, #tpu.memory_space<vmem>>) offsets(%dma_start3A_71 : memref<256xi32, #tpu.memory_space<vmem>>) semaphore(%dma_start3A_76 : memref<!tpu.dma_semaphore, #tpu.memory_space<semaphore_mem>>)
    %scan3A = arith.constant 0 : i32
    %scan3A_77 = arith.constant 0 : i32
    %scan3A_78 = arith.constant 10 : i32
    %scan3A_79 = arith.addi %scan3A_77, %scan3A_78 : i32
    %scan3A_80 = arith.constant 1 : i32
    scf.for %scan3A_261 = %scan3A_77 to %scan3A_79 step %scan3A_80  : i32 {
      %mul3A_262 = arith.constant 10 : i32
      %mul3A_263 = arith.muli %scan3A_261, %mul3A_262 : i32
      %add3A_264 = arith.constant 0 : i32
      %add3A_265 = arith.addi %mul3A_263, %add3A_264 : i32
      %dma_wait3A_266 = arith.constant 0 : i32
      %dma_wait3A_267 = arith.constant 0 : i32
      %dma_wait3A_268 = arith.constant 0 : i32
      %dma_wait3A_269 = arith.constant 0 : i32
      %dma_wait3A_270 = tpu.memref_slice %arg6[%dma_wait3A_266, %dma_wait3A_268, %dma_wait3A_269] : memref<10x256x32xf32, #tpu.memory_space<vmem>> -> memref<1x256x32xf32, #tpu.memory_space<vmem>>
      %dma_wait3A_271 = tpu.memref_squeeze %dma_wait3A_270 : memref<1x256x32xf32, #tpu.memory_space<vmem>> -> memref<256x32xf32, #tpu.memory_space<vmem>>
      %dma_wait3A_272 = arith.constant 0 : i32
      %dma_wait3A_273 = tpu.memref_slice %arg5[%add3A_265, %dma_wait3A_272] : memref<100x256xi32, #tpu.memory_space<vmem>> -> memref<1x256xi32, #tpu.memory_space<vmem>>
      %dma_wait3A_274 = tpu.memref_squeeze %dma_wait3A_273 : memref<1x256xi32, #tpu.memory_space<vmem>> -> memref<256xi32, #tpu.memory_space<vmem>>
      %dma_wait3A_275 = arith.constant 0 : i32
      %dma_wait3A_276 = arith.constant 0 : i32
      %dma_wait3A_277 = tpu.memref_slice %arg3[%dma_wait3A_275, %dma_wait3A_276] : memref<1000000x32xf32, #tpu.memory_space<hbm>> -> memref<1000000x32xf32, #tpu.memory_space<hbm>>
      %dma_wait3A_278 = tpu.memref_slice %arg7[%dma_wait3A_267] : memref<10x!tpu.dma_semaphore, #tpu.memory_space<semaphore_mem>> -> memref<1x!tpu.dma_semaphore, #tpu.memory_space<semaphore_mem>>
      %dma_wait3A_279 = tpu.memref_squeeze %dma_wait3A_278 : memref<1x!tpu.dma_semaphore, #tpu.memory_space<semaphore_mem>> -> memref<!tpu.dma_semaphore, #tpu.memory_space<semaphore_mem>>
      tpu.wait_indirect_dma semaphore(%dma_wait3A_279 : memref<!tpu.dma_semaphore, #tpu.memory_space<semaphore_mem>>) src(%dma_wait3A_277 : memref<1000000x32xf32, #tpu.memory_space<hbm>>) dst(%dma_wait3A_271 : memref<256x32xf32, #tpu.memory_space<vmem>>)
      %mul3A_280 = arith.constant 256 : i32
      %mul3A_281 = arith.muli %add3A_265, %mul3A_280 : i32
      %add3A_282 = arith.addi %mul3A_2, %mul3A_281 : i32
      %dma_start3A_283 = arith.constant 0 : i32
      %dma_start3A_284 = arith.constant 0 : i32
      %dma_start3A_285 = arith.constant 0 : i32
      %dma_start3A_286 = arith.constant 0 : i32
      %dma_start3A_287 = tpu.memref_slice %arg6[%dma_start3A_283, %dma_start3A_285, %dma_start3A_286] : memref<10x256x32xf32, #tpu.memory_space<vmem>> -> memref<1x256x32xf32, #tpu.memory_space<vmem>>
      %dma_start3A_288 = tpu.memref_squeeze %dma_start3A_287 : memref<1x256x32xf32, #tpu.memory_space<vmem>> -> memref<256x32xf32, #tpu.memory_space<vmem>>
      %dma_start3A_289 = arith.constant 0 : i32
      %dma_start3A_290 = tpu.memref_slice %arg4[%add3A_282, %dma_start3A_289] : memref<819200x32xf32, #tpu.memory_space<hbm>> -> memref<256x32xf32, #tpu.memory_space<hbm>>
      %dma_start3A_291 = tpu.memref_slice %arg8[%dma_start3A_284] : memref<10x!tpu.dma_semaphore, #tpu.memory_space<semaphore_mem>> -> memref<1x!tpu.dma_semaphore, #tpu.memory_space<semaphore_mem>>
      %dma_start3A_292 = tpu.memref_squeeze %dma_start3A_291 : memref<1x!tpu.dma_semaphore, #tpu.memory_space<semaphore_mem>> -> memref<!tpu.dma_semaphore, #tpu.memory_space<semaphore_mem>>
      %dma_start3A_293 = arith.constant 0 : i32
      %dma_start3A_294 = tpu.memref_slice %arg4[%add3A_282, %dma_start3A_293] : memref<819200x32xf32, #tpu.memory_space<hbm>> -> memref<256x32xf32, #tpu.memory_space<hbm>>
      %dma_start3A_295 = arith.constant 0 : i32
      %dma_start3A_296 = arith.constant 0 : i32
      %dma_start3A_297 = tpu.memref_slice %arg6[%dma_start3A_283, %dma_start3A_295, %dma_start3A_296] : memref<10x256x32xf32, #tpu.memory_space<vmem>> -> memref<1x256x32xf32, #tpu.memory_space<vmem>>
      %dma_start3A_298 = tpu.memref_squeeze %dma_start3A_297 : memref<1x256x32xf32, #tpu.memory_space<vmem>> -> memref<256x32xf32, #tpu.memory_space<vmem>>
      tpu.enqueue_dma source(%dma_start3A_298 : memref<256x32xf32, #tpu.memory_space<vmem>>) target(%dma_start3A_294 : memref<256x32xf32, #tpu.memory_space<hbm>>) target_semaphore(%dma_start3A_292 : memref<!tpu.dma_semaphore, #tpu.memory_space<semaphore_mem>>)
      %add3A_299 = arith.constant 5 : i32
      %add3A_300 = arith.addi %add3A_265, %add3A_299 : i32
      %lt3A = arith.constant 100 : i32
      %lt3A_301 = arith.cmpi slt, %add3A_300, %lt3A : i32
      %convert_element_type3A = arith.extui %lt3A_301 : i1 to i32
      %cond3A = arith.constant 0 : i32
      %cond3A_302 = arith.cmpi ne, %convert_element_type3A, %cond3A : i32
      scf.if %cond3A_302 {
        %ge3A = arith.constant 10 : i32
        %ge3A_699 = arith.cmpi sge, %add3A_300, %ge3A : i32
        %convert_element_type3A_700 = arith.extui %ge3A_699 : i1 to i32
        %cond3A_701 = arith.constant 0 : i32
        %cond3A_702 = arith.cmpi ne, %convert_element_type3A_700, %cond3A_701 : i32
        scf.if %cond3A_702 {
          %sub3A = arith.constant 10 : i32
          %sub3A_717 = arith.subi %add3A_300, %sub3A : i32
          %mul3A_718 = arith.constant 256 : i32
          %mul3A_719 = arith.muli %sub3A_717, %mul3A_718 : i32
          %add3A_720 = arith.addi %mul3A_2, %mul3A_719 : i32
          %dma_wait3A_721 = arith.constant 5 : i32
          %dma_wait3A_722 = arith.constant 5 : i32
          %dma_wait3A_723 = arith.constant 0 : i32
          %dma_wait3A_724 = arith.constant 0 : i32
          %dma_wait3A_725 = tpu.memref_slice %arg6[%dma_wait3A_721, %dma_wait3A_723, %dma_wait3A_724] : memref<10x256x32xf32, #tpu.memory_space<vmem>> -> memref<1x256x32xf32, #tpu.memory_space<vmem>>
          %dma_wait3A_726 = tpu.memref_squeeze %dma_wait3A_725 : memref<1x256x32xf32, #tpu.memory_space<vmem>> -> memref<256x32xf32, #tpu.memory_space<vmem>>
          %dma_wait3A_727 = arith.constant 0 : i32
          %dma_wait3A_728 = tpu.memref_slice %arg4[%add3A_720, %dma_wait3A_727] : memref<819200x32xf32, #tpu.memory_space<hbm>> -> memref<256x32xf32, #tpu.memory_space<hbm>>
          %dma_wait3A_729 = tpu.memref_slice %arg8[%dma_wait3A_722] : memref<10x!tpu.dma_semaphore, #tpu.memory_space<semaphore_mem>> -> memref<1x!tpu.dma_semaphore, #tpu.memory_space<semaphore_mem>>
          %dma_wait3A_730 = tpu.memref_squeeze %dma_wait3A_729 : memref<1x!tpu.dma_semaphore, #tpu.memory_space<semaphore_mem>> -> memref<!tpu.dma_semaphore, #tpu.memory_space<semaphore_mem>>
          %dma_wait3A_731 = arith.constant 0 : i32
          %dma_wait3A_732 = tpu.memref_slice %arg4[%add3A_720, %dma_wait3A_731] : memref<819200x32xf32, #tpu.memory_space<hbm>> -> memref<256x32xf32, #tpu.memory_space<hbm>>
          %dma_wait3A_733 = arith.constant 0 : i32
          %dma_wait3A_734 = arith.constant 0 : i32
          %dma_wait3A_735 = tpu.memref_slice %arg6[%dma_wait3A_721, %dma_wait3A_733, %dma_wait3A_734] : memref<10x256x32xf32, #tpu.memory_space<vmem>> -> memref<1x256x32xf32, #tpu.memory_space<vmem>>
          %dma_wait3A_736 = tpu.memref_squeeze %dma_wait3A_735 : memref<1x256x32xf32, #tpu.memory_space<vmem>> -> memref<256x32xf32, #tpu.memory_space<vmem>>
          tpu.wait_dma2 semaphore(%dma_wait3A_730 : memref<!tpu.dma_semaphore, #tpu.memory_space<semaphore_mem>>) src(%dma_wait3A_736 : memref<256x32xf32, #tpu.memory_space<vmem>>) dst(%dma_wait3A_732 : memref<256x32xf32, #tpu.memory_space<hbm>>)
        } else {
        }
        %dma_start3A_703 = arith.constant 5 : i32
        %dma_start3A_704 = arith.constant 5 : i32
        %dma_start3A_705 = arith.constant 0 : i32
        %dma_start3A_706 = arith.constant 0 : i32
        %dma_start3A_707 = tpu.memref_slice %arg6[%dma_start3A_703, %dma_start3A_705, %dma_start3A_706] : memref<10x256x32xf32, #tpu.memory_space<vmem>> -> memref<1x256x32xf32, #tpu.memory_space<vmem>>
        %dma_start3A_708 = tpu.memref_squeeze %dma_start3A_707 : memref<1x256x32xf32, #tpu.memory_space<vmem>> -> memref<256x32xf32, #tpu.memory_space<vmem>>
        %dma_start3A_709 = arith.constant 0 : i32
        %dma_start3A_710 = tpu.memref_slice %arg5[%add3A_300, %dma_start3A_709] : memref<100x256xi32, #tpu.memory_space<vmem>> -> memref<1x256xi32, #tpu.memory_space<vmem>>
        %dma_start3A_711 = tpu.memref_squeeze %dma_start3A_710 : memref<1x256xi32, #tpu.memory_space<vmem>> -> memref<256xi32, #tpu.memory_space<vmem>>
        %dma_start3A_712 = arith.constant 0 : i32
        %dma_start3A_713 = arith.constant 0 : i32
        %dma_start3A_714 = tpu.memref_slice %arg3[%dma_start3A_712, %dma_start3A_713] : memref<1000000x32xf32, #tpu.memory_space<hbm>> -> memref<1000000x32xf32, #tpu.memory_space<hbm>>
        %dma_start3A_715 = tpu.memref_slice %arg7[%dma_start3A_704] : memref<10x!tpu.dma_semaphore, #tpu.memory_space<semaphore_mem>> -> memref<1x!tpu.dma_semaphore, #tpu.memory_space<semaphore_mem>>
        %dma_start3A_716 = tpu.memref_squeeze %dma_start3A_715 : memref<1x!tpu.dma_semaphore, #tpu.memory_space<semaphore_mem>> -> memref<!tpu.dma_semaphore, #tpu.memory_space<semaphore_mem>>
        tpu.enqueue_indirect_dma source(%dma_start3A_714 : memref<1000000x32xf32, #tpu.memory_space<hbm>>) target(%dma_start3A_708 : memref<256x32xf32, #tpu.memory_space<vmem>>) offsets(%dma_start3A_711 : memref<256xi32, #tpu.memory_space<vmem>>) semaphore(%dma_start3A_716 : memref<!tpu.dma_semaphore, #tpu.memory_space<semaphore_mem>>)
      } else {
      }
      %mul3A_303 = arith.constant 10 : i32
      %mul3A_304 = arith.muli %scan3A_261, %mul3A_303 : i32
      %add3A_305 = arith.constant 1 : i32
      %add3A_306 = arith.addi %mul3A_304, %add3A_305 : i32
      %dma_wait3A_307 = arith.constant 1 : i32
      %dma_wait3A_308 = arith.constant 1 : i32
      %dma_wait3A_309 = arith.constant 0 : i32
      %dma_wait3A_310 = arith.constant 0 : i32
      %dma_wait3A_311 = tpu.memref_slice %arg6[%dma_wait3A_307, %dma_wait3A_309, %dma_wait3A_310] : memref<10x256x32xf32, #tpu.memory_space<vmem>> -> memref<1x256x32xf32, #tpu.memory_space<vmem>>
      %dma_wait3A_312 = tpu.memref_squeeze %dma_wait3A_311 : memref<1x256x32xf32, #tpu.memory_space<vmem>> -> memref<256x32xf32, #tpu.memory_space<vmem>>
      %dma_wait3A_313 = arith.constant 0 : i32
      %dma_wait3A_314 = tpu.memref_slice %arg5[%add3A_306, %dma_wait3A_313] : memref<100x256xi32, #tpu.memory_space<vmem>> -> memref<1x256xi32, #tpu.memory_space<vmem>>
      %dma_wait3A_315 = tpu.memref_squeeze %dma_wait3A_314 : memref<1x256xi32, #tpu.memory_space<vmem>> -> memref<256xi32, #tpu.memory_space<vmem>>
      %dma_wait3A_316 = arith.constant 0 : i32
      %dma_wait3A_317 = arith.constant 0 : i32
      %dma_wait3A_318 = tpu.memref_slice %arg3[%dma_wait3A_316, %dma_wait3A_317] : memref<1000000x32xf32, #tpu.memory_space<hbm>> -> memref<1000000x32xf32, #tpu.memory_space<hbm>>
      %dma_wait3A_319 = tpu.memref_slice %arg7[%dma_wait3A_308] : memref<10x!tpu.dma_semaphore, #tpu.memory_space<semaphore_mem>> -> memref<1x!tpu.dma_semaphore, #tpu.memory_space<semaphore_mem>>
      %dma_wait3A_320 = tpu.memref_squeeze %dma_wait3A_319 : memref<1x!tpu.dma_semaphore, #tpu.memory_space<semaphore_mem>> -> memref<!tpu.dma_semaphore, #tpu.memory_space<semaphore_mem>>
      tpu.wait_indirect_dma semaphore(%dma_wait3A_320 : memref<!tpu.dma_semaphore, #tpu.memory_space<semaphore_mem>>) src(%dma_wait3A_318 : memref<1000000x32xf32, #tpu.memory_space<hbm>>) dst(%dma_wait3A_312 : memref<256x32xf32, #tpu.memory_space<vmem>>)
      %mul3A_321 = arith.constant 256 : i32
      %mul3A_322 = arith.muli %add3A_306, %mul3A_321 : i32
      %add3A_323 = arith.addi %mul3A_2, %mul3A_322 : i32
      %dma_start3A_324 = arith.constant 1 : i32
      %dma_start3A_325 = arith.constant 1 : i32
      %dma_start3A_326 = arith.constant 0 : i32
      %dma_start3A_327 = arith.constant 0 : i32
      %dma_start3A_328 = tpu.memref_slice %arg6[%dma_start3A_324, %dma_start3A_326, %dma_start3A_327] : memref<10x256x32xf32, #tpu.memory_space<vmem>> -> memref<1x256x32xf32, #tpu.memory_space<vmem>>
      %dma_start3A_329 = tpu.memref_squeeze %dma_start3A_328 : memref<1x256x32xf32, #tpu.memory_space<vmem>> -> memref<256x32xf32, #tpu.memory_space<vmem>>
      %dma_start3A_330 = arith.constant 0 : i32
      %dma_start3A_331 = tpu.memref_slice %arg4[%add3A_323, %dma_start3A_330] : memref<819200x32xf32, #tpu.memory_space<hbm>> -> memref<256x32xf32, #tpu.memory_space<hbm>>
      %dma_start3A_332 = tpu.memref_slice %arg8[%dma_start3A_325] : memref<10x!tpu.dma_semaphore, #tpu.memory_space<semaphore_mem>> -> memref<1x!tpu.dma_semaphore, #tpu.memory_space<semaphore_mem>>
      %dma_start3A_333 = tpu.memref_squeeze %dma_start3A_332 : memref<1x!tpu.dma_semaphore, #tpu.memory_space<semaphore_mem>> -> memref<!tpu.dma_semaphore, #tpu.memory_space<semaphore_mem>>
      %dma_start3A_334 = arith.constant 0 : i32
      %dma_start3A_335 = tpu.memref_slice %arg4[%add3A_323, %dma_start3A_334] : memref<819200x32xf32, #tpu.memory_space<hbm>> -> memref<256x32xf32, #tpu.memory_space<hbm>>
      %dma_start3A_336 = arith.constant 0 : i32
      %dma_start3A_337 = arith.constant 0 : i32
      %dma_start3A_338 = tpu.memref_slice %arg6[%dma_start3A_324, %dma_start3A_336, %dma_start3A_337] : memref<10x256x32xf32, #tpu.memory_space<vmem>> -> memref<1x256x32xf32, #tpu.memory_space<vmem>>
      %dma_start3A_339 = tpu.memref_squeeze %dma_start3A_338 : memref<1x256x32xf32, #tpu.memory_space<vmem>> -> memref<256x32xf32, #tpu.memory_space<vmem>>
      tpu.enqueue_dma source(%dma_start3A_339 : memref<256x32xf32, #tpu.memory_space<vmem>>) target(%dma_start3A_335 : memref<256x32xf32, #tpu.memory_space<hbm>>) target_semaphore(%dma_start3A_333 : memref<!tpu.dma_semaphore, #tpu.memory_space<semaphore_mem>>)
      %add3A_340 = arith.constant 5 : i32
      %add3A_341 = arith.addi %add3A_306, %add3A_340 : i32
      %lt3A_342 = arith.constant 100 : i32
      %lt3A_343 = arith.cmpi slt, %add3A_341, %lt3A_342 : i32
      %convert_element_type3A_344 = arith.extui %lt3A_343 : i1 to i32
      %cond3A_345 = arith.constant 0 : i32
      %cond3A_346 = arith.cmpi ne, %convert_element_type3A_344, %cond3A_345 : i32
      scf.if %cond3A_346 {
        %ge3A = arith.constant 10 : i32
        %ge3A_699 = arith.cmpi sge, %add3A_341, %ge3A : i32
        %convert_element_type3A_700 = arith.extui %ge3A_699 : i1 to i32
        %cond3A_701 = arith.constant 0 : i32
        %cond3A_702 = arith.cmpi ne, %convert_element_type3A_700, %cond3A_701 : i32
        scf.if %cond3A_702 {
          %sub3A = arith.constant 10 : i32
          %sub3A_717 = arith.subi %add3A_341, %sub3A : i32
          %mul3A_718 = arith.constant 256 : i32
          %mul3A_719 = arith.muli %sub3A_717, %mul3A_718 : i32
          %add3A_720 = arith.addi %mul3A_2, %mul3A_719 : i32
          %dma_wait3A_721 = arith.constant 6 : i32
          %dma_wait3A_722 = arith.constant 6 : i32
          %dma_wait3A_723 = arith.constant 0 : i32
          %dma_wait3A_724 = arith.constant 0 : i32
          %dma_wait3A_725 = tpu.memref_slice %arg6[%dma_wait3A_721, %dma_wait3A_723, %dma_wait3A_724] : memref<10x256x32xf32, #tpu.memory_space<vmem>> -> memref<1x256x32xf32, #tpu.memory_space<vmem>>
          %dma_wait3A_726 = tpu.memref_squeeze %dma_wait3A_725 : memref<1x256x32xf32, #tpu.memory_space<vmem>> -> memref<256x32xf32, #tpu.memory_space<vmem>>
          %dma_wait3A_727 = arith.constant 0 : i32
          %dma_wait3A_728 = tpu.memref_slice %arg4[%add3A_720, %dma_wait3A_727] : memref<819200x32xf32, #tpu.memory_space<hbm>> -> memref<256x32xf32, #tpu.memory_space<hbm>>
          %dma_wait3A_729 = tpu.memref_slice %arg8[%dma_wait3A_722] : memref<10x!tpu.dma_semaphore, #tpu.memory_space<semaphore_mem>> -> memref<1x!tpu.dma_semaphore, #tpu.memory_space<semaphore_mem>>
          %dma_wait3A_730 = tpu.memref_squeeze %dma_wait3A_729 : memref<1x!tpu.dma_semaphore, #tpu.memory_space<semaphore_mem>> -> memref<!tpu.dma_semaphore, #tpu.memory_space<semaphore_mem>>
          %dma_wait3A_731 = arith.constant 0 : i32
          %dma_wait3A_732 = tpu.memref_slice %arg4[%add3A_720, %dma_wait3A_731] : memref<819200x32xf32, #tpu.memory_space<hbm>> -> memref<256x32xf32, #tpu.memory_space<hbm>>
          %dma_wait3A_733 = arith.constant 0 : i32
          %dma_wait3A_734 = arith.constant 0 : i32
          %dma_wait3A_735 = tpu.memref_slice %arg6[%dma_wait3A_721, %dma_wait3A_733, %dma_wait3A_734] : memref<10x256x32xf32, #tpu.memory_space<vmem>> -> memref<1x256x32xf32, #tpu.memory_space<vmem>>
          %dma_wait3A_736 = tpu.memref_squeeze %dma_wait3A_735 : memref<1x256x32xf32, #tpu.memory_space<vmem>> -> memref<256x32xf32, #tpu.memory_space<vmem>>
          tpu.wait_dma2 semaphore(%dma_wait3A_730 : memref<!tpu.dma_semaphore, #tpu.memory_space<semaphore_mem>>) src(%dma_wait3A_736 : memref<256x32xf32, #tpu.memory_space<vmem>>) dst(%dma_wait3A_732 : memref<256x32xf32, #tpu.memory_space<hbm>>)
        } else {
        }
        %dma_start3A_703 = arith.constant 6 : i32
        %dma_start3A_704 = arith.constant 6 : i32
        %dma_start3A_705 = arith.constant 0 : i32
        %dma_start3A_706 = arith.constant 0 : i32
        %dma_start3A_707 = tpu.memref_slice %arg6[%dma_start3A_703, %dma_start3A_705, %dma_start3A_706] : memref<10x256x32xf32, #tpu.memory_space<vmem>> -> memref<1x256x32xf32, #tpu.memory_space<vmem>>
        %dma_start3A_708 = tpu.memref_squeeze %dma_start3A_707 : memref<1x256x32xf32, #tpu.memory_space<vmem>> -> memref<256x32xf32, #tpu.memory_space<vmem>>
        %dma_start3A_709 = arith.constant 0 : i32
        %dma_start3A_710 = tpu.memref_slice %arg5[%add3A_341, %dma_start3A_709] : memref<100x256xi32, #tpu.memory_space<vmem>> -> memref<1x256xi32, #tpu.memory_space<vmem>>
        %dma_start3A_711 = tpu.memref_squeeze %dma_start3A_710 : memref<1x256xi32, #tpu.memory_space<vmem>> -> memref<256xi32, #tpu.memory_space<vmem>>
        %dma_start3A_712 = arith.constant 0 : i32
        %dma_start3A_713 = arith.constant 0 : i32
        %dma_start3A_714 = tpu.memref_slice %arg3[%dma_start3A_712, %dma_start3A_713] : memref<1000000x32xf32, #tpu.memory_space<hbm>> -> memref<1000000x32xf32, #tpu.memory_space<hbm>>
        %dma_start3A_715 = tpu.memref_slice %arg7[%dma_start3A_704] : memref<10x!tpu.dma_semaphore, #tpu.memory_space<semaphore_mem>> -> memref<1x!tpu.dma_semaphore, #tpu.memory_space<semaphore_mem>>
        %dma_start3A_716 = tpu.memref_squeeze %dma_start3A_715 : memref<1x!tpu.dma_semaphore, #tpu.memory_space<semaphore_mem>> -> memref<!tpu.dma_semaphore, #tpu.memory_space<semaphore_mem>>
        tpu.enqueue_indirect_dma source(%dma_start3A_714 : memref<1000000x32xf32, #tpu.memory_space<hbm>>) target(%dma_start3A_708 : memref<256x32xf32, #tpu.memory_space<vmem>>) offsets(%dma_start3A_711 : memref<256xi32, #tpu.memory_space<vmem>>) semaphore(%dma_start3A_716 : memref<!tpu.dma_semaphore, #tpu.memory_space<semaphore_mem>>)
      } else {
      }
      %mul3A_347 = arith.constant 10 : i32
      %mul3A_348 = arith.muli %scan3A_261, %mul3A_347 : i32
      %add3A_349 = arith.constant 2 : i32
      %add3A_350 = arith.addi %mul3A_348, %add3A_349 : i32
      %dma_wait3A_351 = arith.constant 2 : i32
      %dma_wait3A_352 = arith.constant 2 : i32
      %dma_wait3A_353 = arith.constant 0 : i32
      %dma_wait3A_354 = arith.constant 0 : i32
      %dma_wait3A_355 = tpu.memref_slice %arg6[%dma_wait3A_351, %dma_wait3A_353, %dma_wait3A_354] : memref<10x256x32xf32, #tpu.memory_space<vmem>> -> memref<1x256x32xf32, #tpu.memory_space<vmem>>
      %dma_wait3A_356 = tpu.memref_squeeze %dma_wait3A_355 : memref<1x256x32xf32, #tpu.memory_space<vmem>> -> memref<256x32xf32, #tpu.memory_space<vmem>>
      %dma_wait3A_357 = arith.constant 0 : i32
      %dma_wait3A_358 = tpu.memref_slice %arg5[%add3A_350, %dma_wait3A_357] : memref<100x256xi32, #tpu.memory_space<vmem>> -> memref<1x256xi32, #tpu.memory_space<vmem>>
      %dma_wait3A_359 = tpu.memref_squeeze %dma_wait3A_358 : memref<1x256xi32, #tpu.memory_space<vmem>> -> memref<256xi32, #tpu.memory_space<vmem>>
      %dma_wait3A_360 = arith.constant 0 : i32
      %dma_wait3A_361 = arith.constant 0 : i32
      %dma_wait3A_362 = tpu.memref_slice %arg3[%dma_wait3A_360, %dma_wait3A_361] : memref<1000000x32xf32, #tpu.memory_space<hbm>> -> memref<1000000x32xf32, #tpu.memory_space<hbm>>
      %dma_wait3A_363 = tpu.memref_slice %arg7[%dma_wait3A_352] : memref<10x!tpu.dma_semaphore, #tpu.memory_space<semaphore_mem>> -> memref<1x!tpu.dma_semaphore, #tpu.memory_space<semaphore_mem>>
      %dma_wait3A_364 = tpu.memref_squeeze %dma_wait3A_363 : memref<1x!tpu.dma_semaphore, #tpu.memory_space<semaphore_mem>> -> memref<!tpu.dma_semaphore, #tpu.memory_space<semaphore_mem>>
      tpu.wait_indirect_dma semaphore(%dma_wait3A_364 : memref<!tpu.dma_semaphore, #tpu.memory_space<semaphore_mem>>) src(%dma_wait3A_362 : memref<1000000x32xf32, #tpu.memory_space<hbm>>) dst(%dma_wait3A_356 : memref<256x32xf32, #tpu.memory_space<vmem>>)
      %mul3A_365 = arith.constant 256 : i32
      %mul3A_366 = arith.muli %add3A_350, %mul3A_365 : i32
      %add3A_367 = arith.addi %mul3A_2, %mul3A_366 : i32
      %dma_start3A_368 = arith.constant 2 : i32
      %dma_start3A_369 = arith.constant 2 : i32
      %dma_start3A_370 = arith.constant 0 : i32
      %dma_start3A_371 = arith.constant 0 : i32
      %dma_start3A_372 = tpu.memref_slice %arg6[%dma_start3A_368, %dma_start3A_370, %dma_start3A_371] : memref<10x256x32xf32, #tpu.memory_space<vmem>> -> memref<1x256x32xf32, #tpu.memory_space<vmem>>
      %dma_start3A_373 = tpu.memref_squeeze %dma_start3A_372 : memref<1x256x32xf32, #tpu.memory_space<vmem>> -> memref<256x32xf32, #tpu.memory_space<vmem>>
      %dma_start3A_374 = arith.constant 0 : i32
      %dma_start3A_375 = tpu.memref_slice %arg4[%add3A_367, %dma_start3A_374] : memref<819200x32xf32, #tpu.memory_space<hbm>> -> memref<256x32xf32, #tpu.memory_space<hbm>>
      %dma_start3A_376 = tpu.memref_slice %arg8[%dma_start3A_369] : memref<10x!tpu.dma_semaphore, #tpu.memory_space<semaphore_mem>> -> memref<1x!tpu.dma_semaphore, #tpu.memory_space<semaphore_mem>>
      %dma_start3A_377 = tpu.memref_squeeze %dma_start3A_376 : memref<1x!tpu.dma_semaphore, #tpu.memory_space<semaphore_mem>> -> memref<!tpu.dma_semaphore, #tpu.memory_space<semaphore_mem>>
      %dma_start3A_378 = arith.constant 0 : i32
      %dma_start3A_379 = tpu.memref_slice %arg4[%add3A_367, %dma_start3A_378] : memref<819200x32xf32, #tpu.memory_space<hbm>> -> memref<256x32xf32, #tpu.memory_space<hbm>>
      %dma_start3A_380 = arith.constant 0 : i32
      %dma_start3A_381 = arith.constant 0 : i32
      %dma_start3A_382 = tpu.memref_slice %arg6[%dma_start3A_368, %dma_start3A_380, %dma_start3A_381] : memref<10x256x32xf32, #tpu.memory_space<vmem>> -> memref<1x256x32xf32, #tpu.memory_space<vmem>>
      %dma_start3A_383 = tpu.memref_squeeze %dma_start3A_382 : memref<1x256x32xf32, #tpu.memory_space<vmem>> -> memref<256x32xf32, #tpu.memory_space<vmem>>
      tpu.enqueue_dma source(%dma_start3A_383 : memref<256x32xf32, #tpu.memory_space<vmem>>) target(%dma_start3A_379 : memref<256x32xf32, #tpu.memory_space<hbm>>) target_semaphore(%dma_start3A_377 : memref<!tpu.dma_semaphore, #tpu.memory_space<semaphore_mem>>)
      %add3A_384 = arith.constant 5 : i32
      %add3A_385 = arith.addi %add3A_350, %add3A_384 : i32
      %lt3A_386 = arith.constant 100 : i32
      %lt3A_387 = arith.cmpi slt, %add3A_385, %lt3A_386 : i32
      %convert_element_type3A_388 = arith.extui %lt3A_387 : i1 to i32
      %cond3A_389 = arith.constant 0 : i32
      %cond3A_390 = arith.cmpi ne, %convert_element_type3A_388, %cond3A_389 : i32
      scf.if %cond3A_390 {
        %ge3A = arith.constant 10 : i32
        %ge3A_699 = arith.cmpi sge, %add3A_385, %ge3A : i32
        %convert_element_type3A_700 = arith.extui %ge3A_699 : i1 to i32
        %cond3A_701 = arith.constant 0 : i32
        %cond3A_702 = arith.cmpi ne, %convert_element_type3A_700, %cond3A_701 : i32
        scf.if %cond3A_702 {
          %sub3A = arith.constant 10 : i32
          %sub3A_717 = arith.subi %add3A_385, %sub3A : i32
          %mul3A_718 = arith.constant 256 : i32
          %mul3A_719 = arith.muli %sub3A_717, %mul3A_718 : i32
          %add3A_720 = arith.addi %mul3A_2, %mul3A_719 : i32
          %dma_wait3A_721 = arith.constant 7 : i32
          %dma_wait3A_722 = arith.constant 7 : i32
          %dma_wait3A_723 = arith.constant 0 : i32
          %dma_wait3A_724 = arith.constant 0 : i32
          %dma_wait3A_725 = tpu.memref_slice %arg6[%dma_wait3A_721, %dma_wait3A_723, %dma_wait3A_724] : memref<10x256x32xf32, #tpu.memory_space<vmem>> -> memref<1x256x32xf32, #tpu.memory_space<vmem>>
          %dma_wait3A_726 = tpu.memref_squeeze %dma_wait3A_725 : memref<1x256x32xf32, #tpu.memory_space<vmem>> -> memref<256x32xf32, #tpu.memory_space<vmem>>
          %dma_wait3A_727 = arith.constant 0 : i32
          %dma_wait3A_728 = tpu.memref_slice %arg4[%add3A_720, %dma_wait3A_727] : memref<819200x32xf32, #tpu.memory_space<hbm>> -> memref<256x32xf32, #tpu.memory_space<hbm>>
          %dma_wait3A_729 = tpu.memref_slice %arg8[%dma_wait3A_722] : memref<10x!tpu.dma_semaphore, #tpu.memory_space<semaphore_mem>> -> memref<1x!tpu.dma_semaphore, #tpu.memory_space<semaphore_mem>>
          %dma_wait3A_730 = tpu.memref_squeeze %dma_wait3A_729 : memref<1x!tpu.dma_semaphore, #tpu.memory_space<semaphore_mem>> -> memref<!tpu.dma_semaphore, #tpu.memory_space<semaphore_mem>>
          %dma_wait3A_731 = arith.constant 0 : i32
          %dma_wait3A_732 = tpu.memref_slice %arg4[%add3A_720, %dma_wait3A_731] : memref<819200x32xf32, #tpu.memory_space<hbm>> -> memref<256x32xf32, #tpu.memory_space<hbm>>
          %dma_wait3A_733 = arith.constant 0 : i32
          %dma_wait3A_734 = arith.constant 0 : i32
          %dma_wait3A_735 = tpu.memref_slice %arg6[%dma_wait3A_721, %dma_wait3A_733, %dma_wait3A_734] : memref<10x256x32xf32, #tpu.memory_space<vmem>> -> memref<1x256x32xf32, #tpu.memory_space<vmem>>
          %dma_wait3A_736 = tpu.memref_squeeze %dma_wait3A_735 : memref<1x256x32xf32, #tpu.memory_space<vmem>> -> memref<256x32xf32, #tpu.memory_space<vmem>>
          tpu.wait_dma2 semaphore(%dma_wait3A_730 : memref<!tpu.dma_semaphore, #tpu.memory_space<semaphore_mem>>) src(%dma_wait3A_736 : memref<256x32xf32, #tpu.memory_space<vmem>>) dst(%dma_wait3A_732 : memref<256x32xf32, #tpu.memory_space<hbm>>)
        } else {
        }
        %dma_start3A_703 = arith.constant 7 : i32
        %dma_start3A_704 = arith.constant 7 : i32
        %dma_start3A_705 = arith.constant 0 : i32
        %dma_start3A_706 = arith.constant 0 : i32
        %dma_start3A_707 = tpu.memref_slice %arg6[%dma_start3A_703, %dma_start3A_705, %dma_start3A_706] : memref<10x256x32xf32, #tpu.memory_space<vmem>> -> memref<1x256x32xf32, #tpu.memory_space<vmem>>
        %dma_start3A_708 = tpu.memref_squeeze %dma_start3A_707 : memref<1x256x32xf32, #tpu.memory_space<vmem>> -> memref<256x32xf32, #tpu.memory_space<vmem>>
        %dma_start3A_709 = arith.constant 0 : i32
        %dma_start3A_710 = tpu.memref_slice %arg5[%add3A_385, %dma_start3A_709] : memref<100x256xi32, #tpu.memory_space<vmem>> -> memref<1x256xi32, #tpu.memory_space<vmem>>
        %dma_start3A_711 = tpu.memref_squeeze %dma_start3A_710 : memref<1x256xi32, #tpu.memory_space<vmem>> -> memref<256xi32, #tpu.memory_space<vmem>>
        %dma_start3A_712 = arith.constant 0 : i32
        %dma_start3A_713 = arith.constant 0 : i32
        %dma_start3A_714 = tpu.memref_slice %arg3[%dma_start3A_712, %dma_start3A_713] : memref<1000000x32xf32, #tpu.memory_space<hbm>> -> memref<1000000x32xf32, #tpu.memory_space<hbm>>
        %dma_start3A_715 = tpu.memref_slice %arg7[%dma_start3A_704] : memref<10x!tpu.dma_semaphore, #tpu.memory_space<semaphore_mem>> -> memref<1x!tpu.dma_semaphore, #tpu.memory_space<semaphore_mem>>
        %dma_start3A_716 = tpu.memref_squeeze %dma_start3A_715 : memref<1x!tpu.dma_semaphore, #tpu.memory_space<semaphore_mem>> -> memref<!tpu.dma_semaphore, #tpu.memory_space<semaphore_mem>>
        tpu.enqueue_indirect_dma source(%dma_start3A_714 : memref<1000000x32xf32, #tpu.memory_space<hbm>>) target(%dma_start3A_708 : memref<256x32xf32, #tpu.memory_space<vmem>>) offsets(%dma_start3A_711 : memref<256xi32, #tpu.memory_space<vmem>>) semaphore(%dma_start3A_716 : memref<!tpu.dma_semaphore, #tpu.memory_space<semaphore_mem>>)
      } else {
      }
      %mul3A_391 = arith.constant 10 : i32
      %mul3A_392 = arith.muli %scan3A_261, %mul3A_391 : i32
      %add3A_393 = arith.constant 3 : i32
      %add3A_394 = arith.addi %mul3A_392, %add3A_393 : i32
      %dma_wait3A_395 = arith.constant 3 : i32
      %dma_wait3A_396 = arith.constant 3 : i32
      %dma_wait3A_397 = arith.constant 0 : i32
      %dma_wait3A_398 = arith.constant 0 : i32
      %dma_wait3A_399 = tpu.memref_slice %arg6[%dma_wait3A_395, %dma_wait3A_397, %dma_wait3A_398] : memref<10x256x32xf32, #tpu.memory_space<vmem>> -> memref<1x256x32xf32, #tpu.memory_space<vmem>>
      %dma_wait3A_400 = tpu.memref_squeeze %dma_wait3A_399 : memref<1x256x32xf32, #tpu.memory_space<vmem>> -> memref<256x32xf32, #tpu.memory_space<vmem>>
      %dma_wait3A_401 = arith.constant 0 : i32
      %dma_wait3A_402 = tpu.memref_slice %arg5[%add3A_394, %dma_wait3A_401] : memref<100x256xi32, #tpu.memory_space<vmem>> -> memref<1x256xi32, #tpu.memory_space<vmem>>
      %dma_wait3A_403 = tpu.memref_squeeze %dma_wait3A_402 : memref<1x256xi32, #tpu.memory_space<vmem>> -> memref<256xi32, #tpu.memory_space<vmem>>
      %dma_wait3A_404 = arith.constant 0 : i32
      %dma_wait3A_405 = arith.constant 0 : i32
      %dma_wait3A_406 = tpu.memref_slice %arg3[%dma_wait3A_404, %dma_wait3A_405] : memref<1000000x32xf32, #tpu.memory_space<hbm>> -> memref<1000000x32xf32, #tpu.memory_space<hbm>>
      %dma_wait3A_407 = tpu.memref_slice %arg7[%dma_wait3A_396] : memref<10x!tpu.dma_semaphore, #tpu.memory_space<semaphore_mem>> -> memref<1x!tpu.dma_semaphore, #tpu.memory_space<semaphore_mem>>
      %dma_wait3A_408 = tpu.memref_squeeze %dma_wait3A_407 : memref<1x!tpu.dma_semaphore, #tpu.memory_space<semaphore_mem>> -> memref<!tpu.dma_semaphore, #tpu.memory_space<semaphore_mem>>
      tpu.wait_indirect_dma semaphore(%dma_wait3A_408 : memref<!tpu.dma_semaphore, #tpu.memory_space<semaphore_mem>>) src(%dma_wait3A_406 : memref<1000000x32xf32, #tpu.memory_space<hbm>>) dst(%dma_wait3A_400 : memref<256x32xf32, #tpu.memory_space<vmem>>)
      %mul3A_409 = arith.constant 256 : i32
      %mul3A_410 = arith.muli %add3A_394, %mul3A_409 : i32
      %add3A_411 = arith.addi %mul3A_2, %mul3A_410 : i32
      %dma_start3A_412 = arith.constant 3 : i32
      %dma_start3A_413 = arith.constant 3 : i32
      %dma_start3A_414 = arith.constant 0 : i32
      %dma_start3A_415 = arith.constant 0 : i32
      %dma_start3A_416 = tpu.memref_slice %arg6[%dma_start3A_412, %dma_start3A_414, %dma_start3A_415] : memref<10x256x32xf32, #tpu.memory_space<vmem>> -> memref<1x256x32xf32, #tpu.memory_space<vmem>>
      %dma_start3A_417 = tpu.memref_squeeze %dma_start3A_416 : memref<1x256x32xf32, #tpu.memory_space<vmem>> -> memref<256x32xf32, #tpu.memory_space<vmem>>
      %dma_start3A_418 = arith.constant 0 : i32
      %dma_start3A_419 = tpu.memref_slice %arg4[%add3A_411, %dma_start3A_418] : memref<819200x32xf32, #tpu.memory_space<hbm>> -> memref<256x32xf32, #tpu.memory_space<hbm>>
      %dma_start3A_420 = tpu.memref_slice %arg8[%dma_start3A_413] : memref<10x!tpu.dma_semaphore, #tpu.memory_space<semaphore_mem>> -> memref<1x!tpu.dma_semaphore, #tpu.memory_space<semaphore_mem>>
      %dma_start3A_421 = tpu.memref_squeeze %dma_start3A_420 : memref<1x!tpu.dma_semaphore, #tpu.memory_space<semaphore_mem>> -> memref<!tpu.dma_semaphore, #tpu.memory_space<semaphore_mem>>
      %dma_start3A_422 = arith.constant 0 : i32
      %dma_start3A_423 = tpu.memref_slice %arg4[%add3A_411, %dma_start3A_422] : memref<819200x32xf32, #tpu.memory_space<hbm>> -> memref<256x32xf32, #tpu.memory_space<hbm>>
      %dma_start3A_424 = arith.constant 0 : i32
      %dma_start3A_425 = arith.constant 0 : i32
      %dma_start3A_426 = tpu.memref_slice %arg6[%dma_start3A_412, %dma_start3A_424, %dma_start3A_425] : memref<10x256x32xf32, #tpu.memory_space<vmem>> -> memref<1x256x32xf32, #tpu.memory_space<vmem>>
      %dma_start3A_427 = tpu.memref_squeeze %dma_start3A_426 : memref<1x256x32xf32, #tpu.memory_space<vmem>> -> memref<256x32xf32, #tpu.memory_space<vmem>>
      tpu.enqueue_dma source(%dma_start3A_427 : memref<256x32xf32, #tpu.memory_space<vmem>>) target(%dma_start3A_423 : memref<256x32xf32, #tpu.memory_space<hbm>>) target_semaphore(%dma_start3A_421 : memref<!tpu.dma_semaphore, #tpu.memory_space<semaphore_mem>>)
      %add3A_428 = arith.constant 5 : i32
      %add3A_429 = arith.addi %add3A_394, %add3A_428 : i32
      %lt3A_430 = arith.constant 100 : i32
      %lt3A_431 = arith.cmpi slt, %add3A_429, %lt3A_430 : i32
      %convert_element_type3A_432 = arith.extui %lt3A_431 : i1 to i32
      %cond3A_433 = arith.constant 0 : i32
      %cond3A_434 = arith.cmpi ne, %convert_element_type3A_432, %cond3A_433 : i32
      scf.if %cond3A_434 {
        %ge3A = arith.constant 10 : i32
        %ge3A_699 = arith.cmpi sge, %add3A_429, %ge3A : i32
        %convert_element_type3A_700 = arith.extui %ge3A_699 : i1 to i32
        %cond3A_701 = arith.constant 0 : i32
        %cond3A_702 = arith.cmpi ne, %convert_element_type3A_700, %cond3A_701 : i32
        scf.if %cond3A_702 {
          %sub3A = arith.constant 10 : i32
          %sub3A_717 = arith.subi %add3A_429, %sub3A : i32
          %mul3A_718 = arith.constant 256 : i32
          %mul3A_719 = arith.muli %sub3A_717, %mul3A_718 : i32
          %add3A_720 = arith.addi %mul3A_2, %mul3A_719 : i32
          %dma_wait3A_721 = arith.constant 8 : i32
          %dma_wait3A_722 = arith.constant 8 : i32
          %dma_wait3A_723 = arith.constant 0 : i32
          %dma_wait3A_724 = arith.constant 0 : i32
          %dma_wait3A_725 = tpu.memref_slice %arg6[%dma_wait3A_721, %dma_wait3A_723, %dma_wait3A_724] : memref<10x256x32xf32, #tpu.memory_space<vmem>> -> memref<1x256x32xf32, #tpu.memory_space<vmem>>
          %dma_wait3A_726 = tpu.memref_squeeze %dma_wait3A_725 : memref<1x256x32xf32, #tpu.memory_space<vmem>> -> memref<256x32xf32, #tpu.memory_space<vmem>>
          %dma_wait3A_727 = arith.constant 0 : i32
          %dma_wait3A_728 = tpu.memref_slice %arg4[%add3A_720, %dma_wait3A_727] : memref<819200x32xf32, #tpu.memory_space<hbm>> -> memref<256x32xf32, #tpu.memory_space<hbm>>
          %dma_wait3A_729 = tpu.memref_slice %arg8[%dma_wait3A_722] : memref<10x!tpu.dma_semaphore, #tpu.memory_space<semaphore_mem>> -> memref<1x!tpu.dma_semaphore, #tpu.memory_space<semaphore_mem>>
          %dma_wait3A_730 = tpu.memref_squeeze %dma_wait3A_729 : memref<1x!tpu.dma_semaphore, #tpu.memory_space<semaphore_mem>> -> memref<!tpu.dma_semaphore, #tpu.memory_space<semaphore_mem>>
          %dma_wait3A_731 = arith.constant 0 : i32
          %dma_wait3A_732 = tpu.memref_slice %arg4[%add3A_720, %dma_wait3A_731] : memref<819200x32xf32, #tpu.memory_space<hbm>> -> memref<256x32xf32, #tpu.memory_space<hbm>>
          %dma_wait3A_733 = arith.constant 0 : i32
          %dma_wait3A_734 = arith.constant 0 : i32
          %dma_wait3A_735 = tpu.memref_slice %arg6[%dma_wait3A_721, %dma_wait3A_733, %dma_wait3A_734] : memref<10x256x32xf32, #tpu.memory_space<vmem>> -> memref<1x256x32xf32, #tpu.memory_space<vmem>>
          %dma_wait3A_736 = tpu.memref_squeeze %dma_wait3A_735 : memref<1x256x32xf32, #tpu.memory_space<vmem>> -> memref<256x32xf32, #tpu.memory_space<vmem>>
          tpu.wait_dma2 semaphore(%dma_wait3A_730 : memref<!tpu.dma_semaphore, #tpu.memory_space<semaphore_mem>>) src(%dma_wait3A_736 : memref<256x32xf32, #tpu.memory_space<vmem>>) dst(%dma_wait3A_732 : memref<256x32xf32, #tpu.memory_space<hbm>>)
        } else {
        }
        %dma_start3A_703 = arith.constant 8 : i32
        %dma_start3A_704 = arith.constant 8 : i32
        %dma_start3A_705 = arith.constant 0 : i32
        %dma_start3A_706 = arith.constant 0 : i32
        %dma_start3A_707 = tpu.memref_slice %arg6[%dma_start3A_703, %dma_start3A_705, %dma_start3A_706] : memref<10x256x32xf32, #tpu.memory_space<vmem>> -> memref<1x256x32xf32, #tpu.memory_space<vmem>>
        %dma_start3A_708 = tpu.memref_squeeze %dma_start3A_707 : memref<1x256x32xf32, #tpu.memory_space<vmem>> -> memref<256x32xf32, #tpu.memory_space<vmem>>
        %dma_start3A_709 = arith.constant 0 : i32
        %dma_start3A_710 = tpu.memref_slice %arg5[%add3A_429, %dma_start3A_709] : memref<100x256xi32, #tpu.memory_space<vmem>> -> memref<1x256xi32, #tpu.memory_space<vmem>>
        %dma_start3A_711 = tpu.memref_squeeze %dma_start3A_710 : memref<1x256xi32, #tpu.memory_space<vmem>> -> memref<256xi32, #tpu.memory_space<vmem>>
        %dma_start3A_712 = arith.constant 0 : i32
        %dma_start3A_713 = arith.constant 0 : i32
        %dma_start3A_714 = tpu.memref_slice %arg3[%dma_start3A_712, %dma_start3A_713] : memref<1000000x32xf32, #tpu.memory_space<hbm>> -> memref<1000000x32xf32, #tpu.memory_space<hbm>>
        %dma_start3A_715 = tpu.memref_slice %arg7[%dma_start3A_704] : memref<10x!tpu.dma_semaphore, #tpu.memory_space<semaphore_mem>> -> memref<1x!tpu.dma_semaphore, #tpu.memory_space<semaphore_mem>>
        %dma_start3A_716 = tpu.memref_squeeze %dma_start3A_715 : memref<1x!tpu.dma_semaphore, #tpu.memory_space<semaphore_mem>> -> memref<!tpu.dma_semaphore, #tpu.memory_space<semaphore_mem>>
        tpu.enqueue_indirect_dma source(%dma_start3A_714 : memref<1000000x32xf32, #tpu.memory_space<hbm>>) target(%dma_start3A_708 : memref<256x32xf32, #tpu.memory_space<vmem>>) offsets(%dma_start3A_711 : memref<256xi32, #tpu.memory_space<vmem>>) semaphore(%dma_start3A_716 : memref<!tpu.dma_semaphore, #tpu.memory_space<semaphore_mem>>)
      } else {
      }
      %mul3A_435 = arith.constant 10 : i32
      %mul3A_436 = arith.muli %scan3A_261, %mul3A_435 : i32
      %add3A_437 = arith.constant 4 : i32
      %add3A_438 = arith.addi %mul3A_436, %add3A_437 : i32
      %dma_wait3A_439 = arith.constant 4 : i32
      %dma_wait3A_440 = arith.constant 4 : i32
      %dma_wait3A_441 = arith.constant 0 : i32
      %dma_wait3A_442 = arith.constant 0 : i32
      %dma_wait3A_443 = tpu.memref_slice %arg6[%dma_wait3A_439, %dma_wait3A_441, %dma_wait3A_442] : memref<10x256x32xf32, #tpu.memory_space<vmem>> -> memref<1x256x32xf32, #tpu.memory_space<vmem>>
      %dma_wait3A_444 = tpu.memref_squeeze %dma_wait3A_443 : memref<1x256x32xf32, #tpu.memory_space<vmem>> -> memref<256x32xf32, #tpu.memory_space<vmem>>
      %dma_wait3A_445 = arith.constant 0 : i32
      %dma_wait3A_446 = tpu.memref_slice %arg5[%add3A_438, %dma_wait3A_445] : memref<100x256xi32, #tpu.memory_space<vmem>> -> memref<1x256xi32, #tpu.memory_space<vmem>>
      %dma_wait3A_447 = tpu.memref_squeeze %dma_wait3A_446 : memref<1x256xi32, #tpu.memory_space<vmem>> -> memref<256xi32, #tpu.memory_space<vmem>>
      %dma_wait3A_448 = arith.constant 0 : i32
      %dma_wait3A_449 = arith.constant 0 : i32
      %dma_wait3A_450 = tpu.memref_slice %arg3[%dma_wait3A_448, %dma_wait3A_449] : memref<1000000x32xf32, #tpu.memory_space<hbm>> -> memref<1000000x32xf32, #tpu.memory_space<hbm>>
      %dma_wait3A_451 = tpu.memref_slice %arg7[%dma_wait3A_440] : memref<10x!tpu.dma_semaphore, #tpu.memory_space<semaphore_mem>> -> memref<1x!tpu.dma_semaphore, #tpu.memory_space<semaphore_mem>>
      %dma_wait3A_452 = tpu.memref_squeeze %dma_wait3A_451 : memref<1x!tpu.dma_semaphore, #tpu.memory_space<semaphore_mem>> -> memref<!tpu.dma_semaphore, #tpu.memory_space<semaphore_mem>>
      tpu.wait_indirect_dma semaphore(%dma_wait3A_452 : memref<!tpu.dma_semaphore, #tpu.memory_space<semaphore_mem>>) src(%dma_wait3A_450 : memref<1000000x32xf32, #tpu.memory_space<hbm>>) dst(%dma_wait3A_444 : memref<256x32xf32, #tpu.memory_space<vmem>>)
      %mul3A_453 = arith.constant 256 : i32
      %mul3A_454 = arith.muli %add3A_438, %mul3A_453 : i32
      %add3A_455 = arith.addi %mul3A_2, %mul3A_454 : i32
      %dma_start3A_456 = arith.constant 4 : i32
      %dma_start3A_457 = arith.constant 4 : i32
      %dma_start3A_458 = arith.constant 0 : i32
      %dma_start3A_459 = arith.constant 0 : i32
      %dma_start3A_460 = tpu.memref_slice %arg6[%dma_start3A_456, %dma_start3A_458, %dma_start3A_459] : memref<10x256x32xf32, #tpu.memory_space<vmem>> -> memref<1x256x32xf32, #tpu.memory_space<vmem>>
      %dma_start3A_461 = tpu.memref_squeeze %dma_start3A_460 : memref<1x256x32xf32, #tpu.memory_space<vmem>> -> memref<256x32xf32, #tpu.memory_space<vmem>>
      %dma_start3A_462 = arith.constant 0 : i32
      %dma_start3A_463 = tpu.memref_slice %arg4[%add3A_455, %dma_start3A_462] : memref<819200x32xf32, #tpu.memory_space<hbm>> -> memref<256x32xf32, #tpu.memory_space<hbm>>
      %dma_start3A_464 = tpu.memref_slice %arg8[%dma_start3A_457] : memref<10x!tpu.dma_semaphore, #tpu.memory_space<semaphore_mem>> -> memref<1x!tpu.dma_semaphore, #tpu.memory_space<semaphore_mem>>
      %dma_start3A_465 = tpu.memref_squeeze %dma_start3A_464 : memref<1x!tpu.dma_semaphore, #tpu.memory_space<semaphore_mem>> -> memref<!tpu.dma_semaphore, #tpu.memory_space<semaphore_mem>>
      %dma_start3A_466 = arith.constant 0 : i32
      %dma_start3A_467 = tpu.memref_slice %arg4[%add3A_455, %dma_start3A_466] : memref<819200x32xf32, #tpu.memory_space<hbm>> -> memref<256x32xf32, #tpu.memory_space<hbm>>
      %dma_start3A_468 = arith.constant 0 : i32
      %dma_start3A_469 = arith.constant 0 : i32
      %dma_start3A_470 = tpu.memref_slice %arg6[%dma_start3A_456, %dma_start3A_468, %dma_start3A_469] : memref<10x256x32xf32, #tpu.memory_space<vmem>> -> memref<1x256x32xf32, #tpu.memory_space<vmem>>
      %dma_start3A_471 = tpu.memref_squeeze %dma_start3A_470 : memref<1x256x32xf32, #tpu.memory_space<vmem>> -> memref<256x32xf32, #tpu.memory_space<vmem>>
      tpu.enqueue_dma source(%dma_start3A_471 : memref<256x32xf32, #tpu.memory_space<vmem>>) target(%dma_start3A_467 : memref<256x32xf32, #tpu.memory_space<hbm>>) target_semaphore(%dma_start3A_465 : memref<!tpu.dma_semaphore, #tpu.memory_space<semaphore_mem>>)
      %add3A_472 = arith.constant 5 : i32
      %add3A_473 = arith.addi %add3A_438, %add3A_472 : i32
      %lt3A_474 = arith.constant 100 : i32
      %lt3A_475 = arith.cmpi slt, %add3A_473, %lt3A_474 : i32
      %convert_element_type3A_476 = arith.extui %lt3A_475 : i1 to i32
      %cond3A_477 = arith.constant 0 : i32
      %cond3A_478 = arith.cmpi ne, %convert_element_type3A_476, %cond3A_477 : i32
      scf.if %cond3A_478 {
        %ge3A = arith.constant 10 : i32
        %ge3A_699 = arith.cmpi sge, %add3A_473, %ge3A : i32
        %convert_element_type3A_700 = arith.extui %ge3A_699 : i1 to i32
        %cond3A_701 = arith.constant 0 : i32
        %cond3A_702 = arith.cmpi ne, %convert_element_type3A_700, %cond3A_701 : i32
        scf.if %cond3A_702 {
          %sub3A = arith.constant 10 : i32
          %sub3A_717 = arith.subi %add3A_473, %sub3A : i32
          %mul3A_718 = arith.constant 256 : i32
          %mul3A_719 = arith.muli %sub3A_717, %mul3A_718 : i32
          %add3A_720 = arith.addi %mul3A_2, %mul3A_719 : i32
          %dma_wait3A_721 = arith.constant 9 : i32
          %dma_wait3A_722 = arith.constant 9 : i32
          %dma_wait3A_723 = arith.constant 0 : i32
          %dma_wait3A_724 = arith.constant 0 : i32
          %dma_wait3A_725 = tpu.memref_slice %arg6[%dma_wait3A_721, %dma_wait3A_723, %dma_wait3A_724] : memref<10x256x32xf32, #tpu.memory_space<vmem>> -> memref<1x256x32xf32, #tpu.memory_space<vmem>>
          %dma_wait3A_726 = tpu.memref_squeeze %dma_wait3A_725 : memref<1x256x32xf32, #tpu.memory_space<vmem>> -> memref<256x32xf32, #tpu.memory_space<vmem>>
          %dma_wait3A_727 = arith.constant 0 : i32
          %dma_wait3A_728 = tpu.memref_slice %arg4[%add3A_720, %dma_wait3A_727] : memref<819200x32xf32, #tpu.memory_space<hbm>> -> memref<256x32xf32, #tpu.memory_space<hbm>>
          %dma_wait3A_729 = tpu.memref_slice %arg8[%dma_wait3A_722] : memref<10x!tpu.dma_semaphore, #tpu.memory_space<semaphore_mem>> -> memref<1x!tpu.dma_semaphore, #tpu.memory_space<semaphore_mem>>
          %dma_wait3A_730 = tpu.memref_squeeze %dma_wait3A_729 : memref<1x!tpu.dma_semaphore, #tpu.memory_space<semaphore_mem>> -> memref<!tpu.dma_semaphore, #tpu.memory_space<semaphore_mem>>
          %dma_wait3A_731 = arith.constant 0 : i32
          %dma_wait3A_732 = tpu.memref_slice %arg4[%add3A_720, %dma_wait3A_731] : memref<819200x32xf32, #tpu.memory_space<hbm>> -> memref<256x32xf32, #tpu.memory_space<hbm>>
          %dma_wait3A_733 = arith.constant 0 : i32
          %dma_wait3A_734 = arith.constant 0 : i32
          %dma_wait3A_735 = tpu.memref_slice %arg6[%dma_wait3A_721, %dma_wait3A_733, %dma_wait3A_734] : memref<10x256x32xf32, #tpu.memory_space<vmem>> -> memref<1x256x32xf32, #tpu.memory_space<vmem>>
          %dma_wait3A_736 = tpu.memref_squeeze %dma_wait3A_735 : memref<1x256x32xf32, #tpu.memory_space<vmem>> -> memref<256x32xf32, #tpu.memory_space<vmem>>
          tpu.wait_dma2 semaphore(%dma_wait3A_730 : memref<!tpu.dma_semaphore, #tpu.memory_space<semaphore_mem>>) src(%dma_wait3A_736 : memref<256x32xf32, #tpu.memory_space<vmem>>) dst(%dma_wait3A_732 : memref<256x32xf32, #tpu.memory_space<hbm>>)
        } else {
        }
        %dma_start3A_703 = arith.constant 9 : i32
        %dma_start3A_704 = arith.constant 9 : i32
        %dma_start3A_705 = arith.constant 0 : i32
        %dma_start3A_706 = arith.constant 0 : i32
        %dma_start3A_707 = tpu.memref_slice %arg6[%dma_start3A_703, %dma_start3A_705, %dma_start3A_706] : memref<10x256x32xf32, #tpu.memory_space<vmem>> -> memref<1x256x32xf32, #tpu.memory_space<vmem>>
        %dma_start3A_708 = tpu.memref_squeeze %dma_start3A_707 : memref<1x256x32xf32, #tpu.memory_space<vmem>> -> memref<256x32xf32, #tpu.memory_space<vmem>>
        %dma_start3A_709 = arith.constant 0 : i32
        %dma_start3A_710 = tpu.memref_slice %arg5[%add3A_473, %dma_start3A_709] : memref<100x256xi32, #tpu.memory_space<vmem>> -> memref<1x256xi32, #tpu.memory_space<vmem>>
        %dma_start3A_711 = tpu.memref_squeeze %dma_start3A_710 : memref<1x256xi32, #tpu.memory_space<vmem>> -> memref<256xi32, #tpu.memory_space<vmem>>
        %dma_start3A_712 = arith.constant 0 : i32
        %dma_start3A_713 = arith.constant 0 : i32
        %dma_start3A_714 = tpu.memref_slice %arg3[%dma_start3A_712, %dma_start3A_713] : memref<1000000x32xf32, #tpu.memory_space<hbm>> -> memref<1000000x32xf32, #tpu.memory_space<hbm>>
        %dma_start3A_715 = tpu.memref_slice %arg7[%dma_start3A_704] : memref<10x!tpu.dma_semaphore, #tpu.memory_space<semaphore_mem>> -> memref<1x!tpu.dma_semaphore, #tpu.memory_space<semaphore_mem>>
        %dma_start3A_716 = tpu.memref_squeeze %dma_start3A_715 : memref<1x!tpu.dma_semaphore, #tpu.memory_space<semaphore_mem>> -> memref<!tpu.dma_semaphore, #tpu.memory_space<semaphore_mem>>
        tpu.enqueue_indirect_dma source(%dma_start3A_714 : memref<1000000x32xf32, #tpu.memory_space<hbm>>) target(%dma_start3A_708 : memref<256x32xf32, #tpu.memory_space<vmem>>) offsets(%dma_start3A_711 : memref<256xi32, #tpu.memory_space<vmem>>) semaphore(%dma_start3A_716 : memref<!tpu.dma_semaphore, #tpu.memory_space<semaphore_mem>>)
      } else {
      }
      %mul3A_479 = arith.constant 10 : i32
      %mul3A_480 = arith.muli %scan3A_261, %mul3A_479 : i32
      %add3A_481 = arith.constant 5 : i32
      %add3A_482 = arith.addi %mul3A_480, %add3A_481 : i32
      %dma_wait3A_483 = arith.constant 5 : i32
      %dma_wait3A_484 = arith.constant 5 : i32
      %dma_wait3A_485 = arith.constant 0 : i32
      %dma_wait3A_486 = arith.constant 0 : i32
      %dma_wait3A_487 = tpu.memref_slice %arg6[%dma_wait3A_483, %dma_wait3A_485, %dma_wait3A_486] : memref<10x256x32xf32, #tpu.memory_space<vmem>> -> memref<1x256x32xf32, #tpu.memory_space<vmem>>
      %dma_wait3A_488 = tpu.memref_squeeze %dma_wait3A_487 : memref<1x256x32xf32, #tpu.memory_space<vmem>> -> memref<256x32xf32, #tpu.memory_space<vmem>>
      %dma_wait3A_489 = arith.constant 0 : i32
      %dma_wait3A_490 = tpu.memref_slice %arg5[%add3A_482, %dma_wait3A_489] : memref<100x256xi32, #tpu.memory_space<vmem>> -> memref<1x256xi32, #tpu.memory_space<vmem>>
      %dma_wait3A_491 = tpu.memref_squeeze %dma_wait3A_490 : memref<1x256xi32, #tpu.memory_space<vmem>> -> memref<256xi32, #tpu.memory_space<vmem>>
      %dma_wait3A_492 = arith.constant 0 : i32
      %dma_wait3A_493 = arith.constant 0 : i32
      %dma_wait3A_494 = tpu.memref_slice %arg3[%dma_wait3A_492, %dma_wait3A_493] : memref<1000000x32xf32, #tpu.memory_space<hbm>> -> memref<1000000x32xf32, #tpu.memory_space<hbm>>
      %dma_wait3A_495 = tpu.memref_slice %arg7[%dma_wait3A_484] : memref<10x!tpu.dma_semaphore, #tpu.memory_space<semaphore_mem>> -> memref<1x!tpu.dma_semaphore, #tpu.memory_space<semaphore_mem>>
      %dma_wait3A_496 = tpu.memref_squeeze %dma_wait3A_495 : memref<1x!tpu.dma_semaphore, #tpu.memory_space<semaphore_mem>> -> memref<!tpu.dma_semaphore, #tpu.memory_space<semaphore_mem>>
      tpu.wait_indirect_dma semaphore(%dma_wait3A_496 : memref<!tpu.dma_semaphore, #tpu.memory_space<semaphore_mem>>) src(%dma_wait3A_494 : memref<1000000x32xf32, #tpu.memory_space<hbm>>) dst(%dma_wait3A_488 : memref<256x32xf32, #tpu.memory_space<vmem>>)
      %mul3A_497 = arith.constant 256 : i32
      %mul3A_498 = arith.muli %add3A_482, %mul3A_497 : i32
      %add3A_499 = arith.addi %mul3A_2, %mul3A_498 : i32
      %dma_start3A_500 = arith.constant 5 : i32
      %dma_start3A_501 = arith.constant 5 : i32
      %dma_start3A_502 = arith.constant 0 : i32
      %dma_start3A_503 = arith.constant 0 : i32
      %dma_start3A_504 = tpu.memref_slice %arg6[%dma_start3A_500, %dma_start3A_502, %dma_start3A_503] : memref<10x256x32xf32, #tpu.memory_space<vmem>> -> memref<1x256x32xf32, #tpu.memory_space<vmem>>
      %dma_start3A_505 = tpu.memref_squeeze %dma_start3A_504 : memref<1x256x32xf32, #tpu.memory_space<vmem>> -> memref<256x32xf32, #tpu.memory_space<vmem>>
      %dma_start3A_506 = arith.constant 0 : i32
      %dma_start3A_507 = tpu.memref_slice %arg4[%add3A_499, %dma_start3A_506] : memref<819200x32xf32, #tpu.memory_space<hbm>> -> memref<256x32xf32, #tpu.memory_space<hbm>>
      %dma_start3A_508 = tpu.memref_slice %arg8[%dma_start3A_501] : memref<10x!tpu.dma_semaphore, #tpu.memory_space<semaphore_mem>> -> memref<1x!tpu.dma_semaphore, #tpu.memory_space<semaphore_mem>>
      %dma_start3A_509 = tpu.memref_squeeze %dma_start3A_508 : memref<1x!tpu.dma_semaphore, #tpu.memory_space<semaphore_mem>> -> memref<!tpu.dma_semaphore, #tpu.memory_space<semaphore_mem>>
      %dma_start3A_510 = arith.constant 0 : i32
      %dma_start3A_511 = tpu.memref_slice %arg4[%add3A_499, %dma_start3A_510] : memref<819200x32xf32, #tpu.memory_space<hbm>> -> memref<256x32xf32, #tpu.memory_space<hbm>>
      %dma_start3A_512 = arith.constant 0 : i32
      %dma_start3A_513 = arith.constant 0 : i32
      %dma_start3A_514 = tpu.memref_slice %arg6[%dma_start3A_500, %dma_start3A_512, %dma_start3A_513] : memref<10x256x32xf32, #tpu.memory_space<vmem>> -> memref<1x256x32xf32, #tpu.memory_space<vmem>>
      %dma_start3A_515 = tpu.memref_squeeze %dma_start3A_514 : memref<1x256x32xf32, #tpu.memory_space<vmem>> -> memref<256x32xf32, #tpu.memory_space<vmem>>
      tpu.enqueue_dma source(%dma_start3A_515 : memref<256x32xf32, #tpu.memory_space<vmem>>) target(%dma_start3A_511 : memref<256x32xf32, #tpu.memory_space<hbm>>) target_semaphore(%dma_start3A_509 : memref<!tpu.dma_semaphore, #tpu.memory_space<semaphore_mem>>)
      %add3A_516 = arith.constant 5 : i32
      %add3A_517 = arith.addi %add3A_482, %add3A_516 : i32
      %lt3A_518 = arith.constant 100 : i32
      %lt3A_519 = arith.cmpi slt, %add3A_517, %lt3A_518 : i32
      %convert_element_type3A_520 = arith.extui %lt3A_519 : i1 to i32
      %cond3A_521 = arith.constant 0 : i32
      %cond3A_522 = arith.cmpi ne, %convert_element_type3A_520, %cond3A_521 : i32
      scf.if %cond3A_522 {
        %ge3A = arith.constant 10 : i32
        %ge3A_699 = arith.cmpi sge, %add3A_517, %ge3A : i32
        %convert_element_type3A_700 = arith.extui %ge3A_699 : i1 to i32
        %cond3A_701 = arith.constant 0 : i32
        %cond3A_702 = arith.cmpi ne, %convert_element_type3A_700, %cond3A_701 : i32
        scf.if %cond3A_702 {
          %sub3A = arith.constant 10 : i32
          %sub3A_717 = arith.subi %add3A_517, %sub3A : i32
          %mul3A_718 = arith.constant 256 : i32
          %mul3A_719 = arith.muli %sub3A_717, %mul3A_718 : i32
          %add3A_720 = arith.addi %mul3A_2, %mul3A_719 : i32
          %dma_wait3A_721 = arith.constant 0 : i32
          %dma_wait3A_722 = arith.constant 0 : i32
          %dma_wait3A_723 = arith.constant 0 : i32
          %dma_wait3A_724 = arith.constant 0 : i32
          %dma_wait3A_725 = tpu.memref_slice %arg6[%dma_wait3A_721, %dma_wait3A_723, %dma_wait3A_724] : memref<10x256x32xf32, #tpu.memory_space<vmem>> -> memref<1x256x32xf32, #tpu.memory_space<vmem>>
          %dma_wait3A_726 = tpu.memref_squeeze %dma_wait3A_725 : memref<1x256x32xf32, #tpu.memory_space<vmem>> -> memref<256x32xf32, #tpu.memory_space<vmem>>
          %dma_wait3A_727 = arith.constant 0 : i32
          %dma_wait3A_728 = tpu.memref_slice %arg4[%add3A_720, %dma_wait3A_727] : memref<819200x32xf32, #tpu.memory_space<hbm>> -> memref<256x32xf32, #tpu.memory_space<hbm>>
          %dma_wait3A_729 = tpu.memref_slice %arg8[%dma_wait3A_722] : memref<10x!tpu.dma_semaphore, #tpu.memory_space<semaphore_mem>> -> memref<1x!tpu.dma_semaphore, #tpu.memory_space<semaphore_mem>>
          %dma_wait3A_730 = tpu.memref_squeeze %dma_wait3A_729 : memref<1x!tpu.dma_semaphore, #tpu.memory_space<semaphore_mem>> -> memref<!tpu.dma_semaphore, #tpu.memory_space<semaphore_mem>>
          %dma_wait3A_731 = arith.constant 0 : i32
          %dma_wait3A_732 = tpu.memref_slice %arg4[%add3A_720, %dma_wait3A_731] : memref<819200x32xf32, #tpu.memory_space<hbm>> -> memref<256x32xf32, #tpu.memory_space<hbm>>
          %dma_wait3A_733 = arith.constant 0 : i32
          %dma_wait3A_734 = arith.constant 0 : i32
          %dma_wait3A_735 = tpu.memref_slice %arg6[%dma_wait3A_721, %dma_wait3A_733, %dma_wait3A_734] : memref<10x256x32xf32, #tpu.memory_space<vmem>> -> memref<1x256x32xf32, #tpu.memory_space<vmem>>
          %dma_wait3A_736 = tpu.memref_squeeze %dma_wait3A_735 : memref<1x256x32xf32, #tpu.memory_space<vmem>> -> memref<256x32xf32, #tpu.memory_space<vmem>>
          tpu.wait_dma2 semaphore(%dma_wait3A_730 : memref<!tpu.dma_semaphore, #tpu.memory_space<semaphore_mem>>) src(%dma_wait3A_736 : memref<256x32xf32, #tpu.memory_space<vmem>>) dst(%dma_wait3A_732 : memref<256x32xf32, #tpu.memory_space<hbm>>)
        } else {
        }
        %dma_start3A_703 = arith.constant 0 : i32
        %dma_start3A_704 = arith.constant 0 : i32
        %dma_start3A_705 = arith.constant 0 : i32
        %dma_start3A_706 = arith.constant 0 : i32
        %dma_start3A_707 = tpu.memref_slice %arg6[%dma_start3A_703, %dma_start3A_705, %dma_start3A_706] : memref<10x256x32xf32, #tpu.memory_space<vmem>> -> memref<1x256x32xf32, #tpu.memory_space<vmem>>
        %dma_start3A_708 = tpu.memref_squeeze %dma_start3A_707 : memref<1x256x32xf32, #tpu.memory_space<vmem>> -> memref<256x32xf32, #tpu.memory_space<vmem>>
        %dma_start3A_709 = arith.constant 0 : i32
        %dma_start3A_710 = tpu.memref_slice %arg5[%add3A_517, %dma_start3A_709] : memref<100x256xi32, #tpu.memory_space<vmem>> -> memref<1x256xi32, #tpu.memory_space<vmem>>
        %dma_start3A_711 = tpu.memref_squeeze %dma_start3A_710 : memref<1x256xi32, #tpu.memory_space<vmem>> -> memref<256xi32, #tpu.memory_space<vmem>>
        %dma_start3A_712 = arith.constant 0 : i32
        %dma_start3A_713 = arith.constant 0 : i32
        %dma_start3A_714 = tpu.memref_slice %arg3[%dma_start3A_712, %dma_start3A_713] : memref<1000000x32xf32, #tpu.memory_space<hbm>> -> memref<1000000x32xf32, #tpu.memory_space<hbm>>
        %dma_start3A_715 = tpu.memref_slice %arg7[%dma_start3A_704] : memref<10x!tpu.dma_semaphore, #tpu.memory_space<semaphore_mem>> -> memref<1x!tpu.dma_semaphore, #tpu.memory_space<semaphore_mem>>
        %dma_start3A_716 = tpu.memref_squeeze %dma_start3A_715 : memref<1x!tpu.dma_semaphore, #tpu.memory_space<semaphore_mem>> -> memref<!tpu.dma_semaphore, #tpu.memory_space<semaphore_mem>>
        tpu.enqueue_indirect_dma source(%dma_start3A_714 : memref<1000000x32xf32, #tpu.memory_space<hbm>>) target(%dma_start3A_708 : memref<256x32xf32, #tpu.memory_space<vmem>>) offsets(%dma_start3A_711 : memref<256xi32, #tpu.memory_space<vmem>>) semaphore(%dma_start3A_716 : memref<!tpu.dma_semaphore, #tpu.memory_space<semaphore_mem>>)
      } else {
      }
      %mul3A_523 = arith.constant 10 : i32
      %mul3A_524 = arith.muli %scan3A_261, %mul3A_523 : i32
      %add3A_525 = arith.constant 6 : i32
      %add3A_526 = arith.addi %mul3A_524, %add3A_525 : i32
      %dma_wait3A_527 = arith.constant 6 : i32
      %dma_wait3A_528 = arith.constant 6 : i32
      %dma_wait3A_529 = arith.constant 0 : i32
      %dma_wait3A_530 = arith.constant 0 : i32
      %dma_wait3A_531 = tpu.memref_slice %arg6[%dma_wait3A_527, %dma_wait3A_529, %dma_wait3A_530] : memref<10x256x32xf32, #tpu.memory_space<vmem>> -> memref<1x256x32xf32, #tpu.memory_space<vmem>>
      %dma_wait3A_532 = tpu.memref_squeeze %dma_wait3A_531 : memref<1x256x32xf32, #tpu.memory_space<vmem>> -> memref<256x32xf32, #tpu.memory_space<vmem>>
      %dma_wait3A_533 = arith.constant 0 : i32
      %dma_wait3A_534 = tpu.memref_slice %arg5[%add3A_526, %dma_wait3A_533] : memref<100x256xi32, #tpu.memory_space<vmem>> -> memref<1x256xi32, #tpu.memory_space<vmem>>
      %dma_wait3A_535 = tpu.memref_squeeze %dma_wait3A_534 : memref<1x256xi32, #tpu.memory_space<vmem>> -> memref<256xi32, #tpu.memory_space<vmem>>
      %dma_wait3A_536 = arith.constant 0 : i32
      %dma_wait3A_537 = arith.constant 0 : i32
      %dma_wait3A_538 = tpu.memref_slice %arg3[%dma_wait3A_536, %dma_wait3A_537] : memref<1000000x32xf32, #tpu.memory_space<hbm>> -> memref<1000000x32xf32, #tpu.memory_space<hbm>>
      %dma_wait3A_539 = tpu.memref_slice %arg7[%dma_wait3A_528] : memref<10x!tpu.dma_semaphore, #tpu.memory_space<semaphore_mem>> -> memref<1x!tpu.dma_semaphore, #tpu.memory_space<semaphore_mem>>
      %dma_wait3A_540 = tpu.memref_squeeze %dma_wait3A_539 : memref<1x!tpu.dma_semaphore, #tpu.memory_space<semaphore_mem>> -> memref<!tpu.dma_semaphore, #tpu.memory_space<semaphore_mem>>
      tpu.wait_indirect_dma semaphore(%dma_wait3A_540 : memref<!tpu.dma_semaphore, #tpu.memory_space<semaphore_mem>>) src(%dma_wait3A_538 : memref<1000000x32xf32, #tpu.memory_space<hbm>>) dst(%dma_wait3A_532 : memref<256x32xf32, #tpu.memory_space<vmem>>)
      %mul3A_541 = arith.constant 256 : i32
      %mul3A_542 = arith.muli %add3A_526, %mul3A_541 : i32
      %add3A_543 = arith.addi %mul3A_2, %mul3A_542 : i32
      %dma_start3A_544 = arith.constant 6 : i32
      %dma_start3A_545 = arith.constant 6 : i32
      %dma_start3A_546 = arith.constant 0 : i32
      %dma_start3A_547 = arith.constant 0 : i32
      %dma_start3A_548 = tpu.memref_slice %arg6[%dma_start3A_544, %dma_start3A_546, %dma_start3A_547] : memref<10x256x32xf32, #tpu.memory_space<vmem>> -> memref<1x256x32xf32, #tpu.memory_space<vmem>>
      %dma_start3A_549 = tpu.memref_squeeze %dma_start3A_548 : memref<1x256x32xf32, #tpu.memory_space<vmem>> -> memref<256x32xf32, #tpu.memory_space<vmem>>
      %dma_start3A_550 = arith.constant 0 : i32
      %dma_start3A_551 = tpu.memref_slice %arg4[%add3A_543, %dma_start3A_550] : memref<819200x32xf32, #tpu.memory_space<hbm>> -> memref<256x32xf32, #tpu.memory_space<hbm>>
      %dma_start3A_552 = tpu.memref_slice %arg8[%dma_start3A_545] : memref<10x!tpu.dma_semaphore, #tpu.memory_space<semaphore_mem>> -> memref<1x!tpu.dma_semaphore, #tpu.memory_space<semaphore_mem>>
      %dma_start3A_553 = tpu.memref_squeeze %dma_start3A_552 : memref<1x!tpu.dma_semaphore, #tpu.memory_space<semaphore_mem>> -> memref<!tpu.dma_semaphore, #tpu.memory_space<semaphore_mem>>
      %dma_start3A_554 = arith.constant 0 : i32
      %dma_start3A_555 = tpu.memref_slice %arg4[%add3A_543, %dma_start3A_554] : memref<819200x32xf32, #tpu.memory_space<hbm>> -> memref<256x32xf32, #tpu.memory_space<hbm>>
      %dma_start3A_556 = arith.constant 0 : i32
      %dma_start3A_557 = arith.constant 0 : i32
      %dma_start3A_558 = tpu.memref_slice %arg6[%dma_start3A_544, %dma_start3A_556, %dma_start3A_557] : memref<10x256x32xf32, #tpu.memory_space<vmem>> -> memref<1x256x32xf32, #tpu.memory_space<vmem>>
      %dma_start3A_559 = tpu.memref_squeeze %dma_start3A_558 : memref<1x256x32xf32, #tpu.memory_space<vmem>> -> memref<256x32xf32, #tpu.memory_space<vmem>>
      tpu.enqueue_dma source(%dma_start3A_559 : memref<256x32xf32, #tpu.memory_space<vmem>>) target(%dma_start3A_555 : memref<256x32xf32, #tpu.memory_space<hbm>>) target_semaphore(%dma_start3A_553 : memref<!tpu.dma_semaphore, #tpu.memory_space<semaphore_mem>>)
      %add3A_560 = arith.constant 5 : i32
      %add3A_561 = arith.addi %add3A_526, %add3A_560 : i32
      %lt3A_562 = arith.constant 100 : i32
      %lt3A_563 = arith.cmpi slt, %add3A_561, %lt3A_562 : i32
      %convert_element_type3A_564 = arith.extui %lt3A_563 : i1 to i32
      %cond3A_565 = arith.constant 0 : i32
      %cond3A_566 = arith.cmpi ne, %convert_element_type3A_564, %cond3A_565 : i32
      scf.if %cond3A_566 {
        %ge3A = arith.constant 10 : i32
        %ge3A_699 = arith.cmpi sge, %add3A_561, %ge3A : i32
        %convert_element_type3A_700 = arith.extui %ge3A_699 : i1 to i32
        %cond3A_701 = arith.constant 0 : i32
        %cond3A_702 = arith.cmpi ne, %convert_element_type3A_700, %cond3A_701 : i32
        scf.if %cond3A_702 {
          %sub3A = arith.constant 10 : i32
          %sub3A_717 = arith.subi %add3A_561, %sub3A : i32
          %mul3A_718 = arith.constant 256 : i32
          %mul3A_719 = arith.muli %sub3A_717, %mul3A_718 : i32
          %add3A_720 = arith.addi %mul3A_2, %mul3A_719 : i32
          %dma_wait3A_721 = arith.constant 1 : i32
          %dma_wait3A_722 = arith.constant 1 : i32
          %dma_wait3A_723 = arith.constant 0 : i32
          %dma_wait3A_724 = arith.constant 0 : i32
          %dma_wait3A_725 = tpu.memref_slice %arg6[%dma_wait3A_721, %dma_wait3A_723, %dma_wait3A_724] : memref<10x256x32xf32, #tpu.memory_space<vmem>> -> memref<1x256x32xf32, #tpu.memory_space<vmem>>
          %dma_wait3A_726 = tpu.memref_squeeze %dma_wait3A_725 : memref<1x256x32xf32, #tpu.memory_space<vmem>> -> memref<256x32xf32, #tpu.memory_space<vmem>>
          %dma_wait3A_727 = arith.constant 0 : i32
          %dma_wait3A_728 = tpu.memref_slice %arg4[%add3A_720, %dma_wait3A_727] : memref<819200x32xf32, #tpu.memory_space<hbm>> -> memref<256x32xf32, #tpu.memory_space<hbm>>
          %dma_wait3A_729 = tpu.memref_slice %arg8[%dma_wait3A_722] : memref<10x!tpu.dma_semaphore, #tpu.memory_space<semaphore_mem>> -> memref<1x!tpu.dma_semaphore, #tpu.memory_space<semaphore_mem>>
          %dma_wait3A_730 = tpu.memref_squeeze %dma_wait3A_729 : memref<1x!tpu.dma_semaphore, #tpu.memory_space<semaphore_mem>> -> memref<!tpu.dma_semaphore, #tpu.memory_space<semaphore_mem>>
          %dma_wait3A_731 = arith.constant 0 : i32
          %dma_wait3A_732 = tpu.memref_slice %arg4[%add3A_720, %dma_wait3A_731] : memref<819200x32xf32, #tpu.memory_space<hbm>> -> memref<256x32xf32, #tpu.memory_space<hbm>>
          %dma_wait3A_733 = arith.constant 0 : i32
          %dma_wait3A_734 = arith.constant 0 : i32
          %dma_wait3A_735 = tpu.memref_slice %arg6[%dma_wait3A_721, %dma_wait3A_733, %dma_wait3A_734] : memref<10x256x32xf32, #tpu.memory_space<vmem>> -> memref<1x256x32xf32, #tpu.memory_space<vmem>>
          %dma_wait3A_736 = tpu.memref_squeeze %dma_wait3A_735 : memref<1x256x32xf32, #tpu.memory_space<vmem>> -> memref<256x32xf32, #tpu.memory_space<vmem>>
          tpu.wait_dma2 semaphore(%dma_wait3A_730 : memref<!tpu.dma_semaphore, #tpu.memory_space<semaphore_mem>>) src(%dma_wait3A_736 : memref<256x32xf32, #tpu.memory_space<vmem>>) dst(%dma_wait3A_732 : memref<256x32xf32, #tpu.memory_space<hbm>>)
        } else {
        }
        %dma_start3A_703 = arith.constant 1 : i32
        %dma_start3A_704 = arith.constant 1 : i32
        %dma_start3A_705 = arith.constant 0 : i32
        %dma_start3A_706 = arith.constant 0 : i32
        %dma_start3A_707 = tpu.memref_slice %arg6[%dma_start3A_703, %dma_start3A_705, %dma_start3A_706] : memref<10x256x32xf32, #tpu.memory_space<vmem>> -> memref<1x256x32xf32, #tpu.memory_space<vmem>>
        %dma_start3A_708 = tpu.memref_squeeze %dma_start3A_707 : memref<1x256x32xf32, #tpu.memory_space<vmem>> -> memref<256x32xf32, #tpu.memory_space<vmem>>
        %dma_start3A_709 = arith.constant 0 : i32
        %dma_start3A_710 = tpu.memref_slice %arg5[%add3A_561, %dma_start3A_709] : memref<100x256xi32, #tpu.memory_space<vmem>> -> memref<1x256xi32, #tpu.memory_space<vmem>>
        %dma_start3A_711 = tpu.memref_squeeze %dma_start3A_710 : memref<1x256xi32, #tpu.memory_space<vmem>> -> memref<256xi32, #tpu.memory_space<vmem>>
        %dma_start3A_712 = arith.constant 0 : i32
        %dma_start3A_713 = arith.constant 0 : i32
        %dma_start3A_714 = tpu.memref_slice %arg3[%dma_start3A_712, %dma_start3A_713] : memref<1000000x32xf32, #tpu.memory_space<hbm>> -> memref<1000000x32xf32, #tpu.memory_space<hbm>>
        %dma_start3A_715 = tpu.memref_slice %arg7[%dma_start3A_704] : memref<10x!tpu.dma_semaphore, #tpu.memory_space<semaphore_mem>> -> memref<1x!tpu.dma_semaphore, #tpu.memory_space<semaphore_mem>>
        %dma_start3A_716 = tpu.memref_squeeze %dma_start3A_715 : memref<1x!tpu.dma_semaphore, #tpu.memory_space<semaphore_mem>> -> memref<!tpu.dma_semaphore, #tpu.memory_space<semaphore_mem>>
        tpu.enqueue_indirect_dma source(%dma_start3A_714 : memref<1000000x32xf32, #tpu.memory_space<hbm>>) target(%dma_start3A_708 : memref<256x32xf32, #tpu.memory_space<vmem>>) offsets(%dma_start3A_711 : memref<256xi32, #tpu.memory_space<vmem>>) semaphore(%dma_start3A_716 : memref<!tpu.dma_semaphore, #tpu.memory_space<semaphore_mem>>)
      } else {
      }
      %mul3A_567 = arith.constant 10 : i32
      %mul3A_568 = arith.muli %scan3A_261, %mul3A_567 : i32
      %add3A_569 = arith.constant 7 : i32
      %add3A_570 = arith.addi %mul3A_568, %add3A_569 : i32
      %dma_wait3A_571 = arith.constant 7 : i32
      %dma_wait3A_572 = arith.constant 7 : i32
      %dma_wait3A_573 = arith.constant 0 : i32
      %dma_wait3A_574 = arith.constant 0 : i32
      %dma_wait3A_575 = tpu.memref_slice %arg6[%dma_wait3A_571, %dma_wait3A_573, %dma_wait3A_574] : memref<10x256x32xf32, #tpu.memory_space<vmem>> -> memref<1x256x32xf32, #tpu.memory_space<vmem>>
      %dma_wait3A_576 = tpu.memref_squeeze %dma_wait3A_575 : memref<1x256x32xf32, #tpu.memory_space<vmem>> -> memref<256x32xf32, #tpu.memory_space<vmem>>
      %dma_wait3A_577 = arith.constant 0 : i32
      %dma_wait3A_578 = tpu.memref_slice %arg5[%add3A_570, %dma_wait3A_577] : memref<100x256xi32, #tpu.memory_space<vmem>> -> memref<1x256xi32, #tpu.memory_space<vmem>>
      %dma_wait3A_579 = tpu.memref_squeeze %dma_wait3A_578 : memref<1x256xi32, #tpu.memory_space<vmem>> -> memref<256xi32, #tpu.memory_space<vmem>>
      %dma_wait3A_580 = arith.constant 0 : i32
      %dma_wait3A_581 = arith.constant 0 : i32
      %dma_wait3A_582 = tpu.memref_slice %arg3[%dma_wait3A_580, %dma_wait3A_581] : memref<1000000x32xf32, #tpu.memory_space<hbm>> -> memref<1000000x32xf32, #tpu.memory_space<hbm>>
      %dma_wait3A_583 = tpu.memref_slice %arg7[%dma_wait3A_572] : memref<10x!tpu.dma_semaphore, #tpu.memory_space<semaphore_mem>> -> memref<1x!tpu.dma_semaphore, #tpu.memory_space<semaphore_mem>>
      %dma_wait3A_584 = tpu.memref_squeeze %dma_wait3A_583 : memref<1x!tpu.dma_semaphore, #tpu.memory_space<semaphore_mem>> -> memref<!tpu.dma_semaphore, #tpu.memory_space<semaphore_mem>>
      tpu.wait_indirect_dma semaphore(%dma_wait3A_584 : memref<!tpu.dma_semaphore, #tpu.memory_space<semaphore_mem>>) src(%dma_wait3A_582 : memref<1000000x32xf32, #tpu.memory_space<hbm>>) dst(%dma_wait3A_576 : memref<256x32xf32, #tpu.memory_space<vmem>>)
      %mul3A_585 = arith.constant 256 : i32
      %mul3A_586 = arith.muli %add3A_570, %mul3A_585 : i32
      %add3A_587 = arith.addi %mul3A_2, %mul3A_586 : i32
      %dma_start3A_588 = arith.constant 7 : i32
      %dma_start3A_589 = arith.constant 7 : i32
      %dma_start3A_590 = arith.constant 0 : i32
      %dma_start3A_591 = arith.constant 0 : i32
      %dma_start3A_592 = tpu.memref_slice %arg6[%dma_start3A_588, %dma_start3A_590, %dma_start3A_591] : memref<10x256x32xf32, #tpu.memory_space<vmem>> -> memref<1x256x32xf32, #tpu.memory_space<vmem>>
      %dma_start3A_593 = tpu.memref_squeeze %dma_start3A_592 : memref<1x256x32xf32, #tpu.memory_space<vmem>> -> memref<256x32xf32, #tpu.memory_space<vmem>>
      %dma_start3A_594 = arith.constant 0 : i32
      %dma_start3A_595 = tpu.memref_slice %arg4[%add3A_587, %dma_start3A_594] : memref<819200x32xf32, #tpu.memory_space<hbm>> -> memref<256x32xf32, #tpu.memory_space<hbm>>
      %dma_start3A_596 = tpu.memref_slice %arg8[%dma_start3A_589] : memref<10x!tpu.dma_semaphore, #tpu.memory_space<semaphore_mem>> -> memref<1x!tpu.dma_semaphore, #tpu.memory_space<semaphore_mem>>
      %dma_start3A_597 = tpu.memref_squeeze %dma_start3A_596 : memref<1x!tpu.dma_semaphore, #tpu.memory_space<semaphore_mem>> -> memref<!tpu.dma_semaphore, #tpu.memory_space<semaphore_mem>>
      %dma_start3A_598 = arith.constant 0 : i32
      %dma_start3A_599 = tpu.memref_slice %arg4[%add3A_587, %dma_start3A_598] : memref<819200x32xf32, #tpu.memory_space<hbm>> -> memref<256x32xf32, #tpu.memory_space<hbm>>
      %dma_start3A_600 = arith.constant 0 : i32
      %dma_start3A_601 = arith.constant 0 : i32
      %dma_start3A_602 = tpu.memref_slice %arg6[%dma_start3A_588, %dma_start3A_600, %dma_start3A_601] : memref<10x256x32xf32, #tpu.memory_space<vmem>> -> memref<1x256x32xf32, #tpu.memory_space<vmem>>
      %dma_start3A_603 = tpu.memref_squeeze %dma_start3A_602 : memref<1x256x32xf32, #tpu.memory_space<vmem>> -> memref<256x32xf32, #tpu.memory_space<vmem>>
      tpu.enqueue_dma source(%dma_start3A_603 : memref<256x32xf32, #tpu.memory_space<vmem>>) target(%dma_start3A_599 : memref<256x32xf32, #tpu.memory_space<hbm>>) target_semaphore(%dma_start3A_597 : memref<!tpu.dma_semaphore, #tpu.memory_space<semaphore_mem>>)
      %add3A_604 = arith.constant 5 : i32
      %add3A_605 = arith.addi %add3A_570, %add3A_604 : i32
      %lt3A_606 = arith.constant 100 : i32
      %lt3A_607 = arith.cmpi slt, %add3A_605, %lt3A_606 : i32
      %convert_element_type3A_608 = arith.extui %lt3A_607 : i1 to i32
      %cond3A_609 = arith.constant 0 : i32
      %cond3A_610 = arith.cmpi ne, %convert_element_type3A_608, %cond3A_609 : i32
      scf.if %cond3A_610 {
        %ge3A = arith.constant 10 : i32
        %ge3A_699 = arith.cmpi sge, %add3A_605, %ge3A : i32
        %convert_element_type3A_700 = arith.extui %ge3A_699 : i1 to i32
        %cond3A_701 = arith.constant 0 : i32
        %cond3A_702 = arith.cmpi ne, %convert_element_type3A_700, %cond3A_701 : i32
        scf.if %cond3A_702 {
          %sub3A = arith.constant 10 : i32
          %sub3A_717 = arith.subi %add3A_605, %sub3A : i32
          %mul3A_718 = arith.constant 256 : i32
          %mul3A_719 = arith.muli %sub3A_717, %mul3A_718 : i32
          %add3A_720 = arith.addi %mul3A_2, %mul3A_719 : i32
          %dma_wait3A_721 = arith.constant 2 : i32
          %dma_wait3A_722 = arith.constant 2 : i32
          %dma_wait3A_723 = arith.constant 0 : i32
          %dma_wait3A_724 = arith.constant 0 : i32
          %dma_wait3A_725 = tpu.memref_slice %arg6[%dma_wait3A_721, %dma_wait3A_723, %dma_wait3A_724] : memref<10x256x32xf32, #tpu.memory_space<vmem>> -> memref<1x256x32xf32, #tpu.memory_space<vmem>>
          %dma_wait3A_726 = tpu.memref_squeeze %dma_wait3A_725 : memref<1x256x32xf32, #tpu.memory_space<vmem>> -> memref<256x32xf32, #tpu.memory_space<vmem>>
          %dma_wait3A_727 = arith.constant 0 : i32
          %dma_wait3A_728 = tpu.memref_slice %arg4[%add3A_720, %dma_wait3A_727] : memref<819200x32xf32, #tpu.memory_space<hbm>> -> memref<256x32xf32, #tpu.memory_space<hbm>>
          %dma_wait3A_729 = tpu.memref_slice %arg8[%dma_wait3A_722] : memref<10x!tpu.dma_semaphore, #tpu.memory_space<semaphore_mem>> -> memref<1x!tpu.dma_semaphore, #tpu.memory_space<semaphore_mem>>
          %dma_wait3A_730 = tpu.memref_squeeze %dma_wait3A_729 : memref<1x!tpu.dma_semaphore, #tpu.memory_space<semaphore_mem>> -> memref<!tpu.dma_semaphore, #tpu.memory_space<semaphore_mem>>
          %dma_wait3A_731 = arith.constant 0 : i32
          %dma_wait3A_732 = tpu.memref_slice %arg4[%add3A_720, %dma_wait3A_731] : memref<819200x32xf32, #tpu.memory_space<hbm>> -> memref<256x32xf32, #tpu.memory_space<hbm>>
          %dma_wait3A_733 = arith.constant 0 : i32
          %dma_wait3A_734 = arith.constant 0 : i32
          %dma_wait3A_735 = tpu.memref_slice %arg6[%dma_wait3A_721, %dma_wait3A_733, %dma_wait3A_734] : memref<10x256x32xf32, #tpu.memory_space<vmem>> -> memref<1x256x32xf32, #tpu.memory_space<vmem>>
          %dma_wait3A_736 = tpu.memref_squeeze %dma_wait3A_735 : memref<1x256x32xf32, #tpu.memory_space<vmem>> -> memref<256x32xf32, #tpu.memory_space<vmem>>
          tpu.wait_dma2 semaphore(%dma_wait3A_730 : memref<!tpu.dma_semaphore, #tpu.memory_space<semaphore_mem>>) src(%dma_wait3A_736 : memref<256x32xf32, #tpu.memory_space<vmem>>) dst(%dma_wait3A_732 : memref<256x32xf32, #tpu.memory_space<hbm>>)
        } else {
        }
        %dma_start3A_703 = arith.constant 2 : i32
        %dma_start3A_704 = arith.constant 2 : i32
        %dma_start3A_705 = arith.constant 0 : i32
        %dma_start3A_706 = arith.constant 0 : i32
        %dma_start3A_707 = tpu.memref_slice %arg6[%dma_start3A_703, %dma_start3A_705, %dma_start3A_706] : memref<10x256x32xf32, #tpu.memory_space<vmem>> -> memref<1x256x32xf32, #tpu.memory_space<vmem>>
        %dma_start3A_708 = tpu.memref_squeeze %dma_start3A_707 : memref<1x256x32xf32, #tpu.memory_space<vmem>> -> memref<256x32xf32, #tpu.memory_space<vmem>>
        %dma_start3A_709 = arith.constant 0 : i32
        %dma_start3A_710 = tpu.memref_slice %arg5[%add3A_605, %dma_start3A_709] : memref<100x256xi32, #tpu.memory_space<vmem>> -> memref<1x256xi32, #tpu.memory_space<vmem>>
        %dma_start3A_711 = tpu.memref_squeeze %dma_start3A_710 : memref<1x256xi32, #tpu.memory_space<vmem>> -> memref<256xi32, #tpu.memory_space<vmem>>
        %dma_start3A_712 = arith.constant 0 : i32
        %dma_start3A_713 = arith.constant 0 : i32
        %dma_start3A_714 = tpu.memref_slice %arg3[%dma_start3A_712, %dma_start3A_713] : memref<1000000x32xf32, #tpu.memory_space<hbm>> -> memref<1000000x32xf32, #tpu.memory_space<hbm>>
        %dma_start3A_715 = tpu.memref_slice %arg7[%dma_start3A_704] : memref<10x!tpu.dma_semaphore, #tpu.memory_space<semaphore_mem>> -> memref<1x!tpu.dma_semaphore, #tpu.memory_space<semaphore_mem>>
        %dma_start3A_716 = tpu.memref_squeeze %dma_start3A_715 : memref<1x!tpu.dma_semaphore, #tpu.memory_space<semaphore_mem>> -> memref<!tpu.dma_semaphore, #tpu.memory_space<semaphore_mem>>
        tpu.enqueue_indirect_dma source(%dma_start3A_714 : memref<1000000x32xf32, #tpu.memory_space<hbm>>) target(%dma_start3A_708 : memref<256x32xf32, #tpu.memory_space<vmem>>) offsets(%dma_start3A_711 : memref<256xi32, #tpu.memory_space<vmem>>) semaphore(%dma_start3A_716 : memref<!tpu.dma_semaphore, #tpu.memory_space<semaphore_mem>>)
      } else {
      }
      %mul3A_611 = arith.constant 10 : i32
      %mul3A_612 = arith.muli %scan3A_261, %mul3A_611 : i32
      %add3A_613 = arith.constant 8 : i32
      %add3A_614 = arith.addi %mul3A_612, %add3A_613 : i32
      %dma_wait3A_615 = arith.constant 8 : i32
      %dma_wait3A_616 = arith.constant 8 : i32
      %dma_wait3A_617 = arith.constant 0 : i32
      %dma_wait3A_618 = arith.constant 0 : i32
      %dma_wait3A_619 = tpu.memref_slice %arg6[%dma_wait3A_615, %dma_wait3A_617, %dma_wait3A_618] : memref<10x256x32xf32, #tpu.memory_space<vmem>> -> memref<1x256x32xf32, #tpu.memory_space<vmem>>
      %dma_wait3A_620 = tpu.memref_squeeze %dma_wait3A_619 : memref<1x256x32xf32, #tpu.memory_space<vmem>> -> memref<256x32xf32, #tpu.memory_space<vmem>>
      %dma_wait3A_621 = arith.constant 0 : i32
      %dma_wait3A_622 = tpu.memref_slice %arg5[%add3A_614, %dma_wait3A_621] : memref<100x256xi32, #tpu.memory_space<vmem>> -> memref<1x256xi32, #tpu.memory_space<vmem>>
      %dma_wait3A_623 = tpu.memref_squeeze %dma_wait3A_622 : memref<1x256xi32, #tpu.memory_space<vmem>> -> memref<256xi32, #tpu.memory_space<vmem>>
      %dma_wait3A_624 = arith.constant 0 : i32
      %dma_wait3A_625 = arith.constant 0 : i32
      %dma_wait3A_626 = tpu.memref_slice %arg3[%dma_wait3A_624, %dma_wait3A_625] : memref<1000000x32xf32, #tpu.memory_space<hbm>> -> memref<1000000x32xf32, #tpu.memory_space<hbm>>
      %dma_wait3A_627 = tpu.memref_slice %arg7[%dma_wait3A_616] : memref<10x!tpu.dma_semaphore, #tpu.memory_space<semaphore_mem>> -> memref<1x!tpu.dma_semaphore, #tpu.memory_space<semaphore_mem>>
      %dma_wait3A_628 = tpu.memref_squeeze %dma_wait3A_627 : memref<1x!tpu.dma_semaphore, #tpu.memory_space<semaphore_mem>> -> memref<!tpu.dma_semaphore, #tpu.memory_space<semaphore_mem>>
      tpu.wait_indirect_dma semaphore(%dma_wait3A_628 : memref<!tpu.dma_semaphore, #tpu.memory_space<semaphore_mem>>) src(%dma_wait3A_626 : memref<1000000x32xf32, #tpu.memory_space<hbm>>) dst(%dma_wait3A_620 : memref<256x32xf32, #tpu.memory_space<vmem>>)
      %mul3A_629 = arith.constant 256 : i32
      %mul3A_630 = arith.muli %add3A_614, %mul3A_629 : i32
      %add3A_631 = arith.addi %mul3A_2, %mul3A_630 : i32
      %dma_start3A_632 = arith.constant 8 : i32
      %dma_start3A_633 = arith.constant 8 : i32
      %dma_start3A_634 = arith.constant 0 : i32
      %dma_start3A_635 = arith.constant 0 : i32
      %dma_start3A_636 = tpu.memref_slice %arg6[%dma_start3A_632, %dma_start3A_634, %dma_start3A_635] : memref<10x256x32xf32, #tpu.memory_space<vmem>> -> memref<1x256x32xf32, #tpu.memory_space<vmem>>
      %dma_start3A_637 = tpu.memref_squeeze %dma_start3A_636 : memref<1x256x32xf32, #tpu.memory_space<vmem>> -> memref<256x32xf32, #tpu.memory_space<vmem>>
      %dma_start3A_638 = arith.constant 0 : i32
      %dma_start3A_639 = tpu.memref_slice %arg4[%add3A_631, %dma_start3A_638] : memref<819200x32xf32, #tpu.memory_space<hbm>> -> memref<256x32xf32, #tpu.memory_space<hbm>>
      %dma_start3A_640 = tpu.memref_slice %arg8[%dma_start3A_633] : memref<10x!tpu.dma_semaphore, #tpu.memory_space<semaphore_mem>> -> memref<1x!tpu.dma_semaphore, #tpu.memory_space<semaphore_mem>>
      %dma_start3A_641 = tpu.memref_squeeze %dma_start3A_640 : memref<1x!tpu.dma_semaphore, #tpu.memory_space<semaphore_mem>> -> memref<!tpu.dma_semaphore, #tpu.memory_space<semaphore_mem>>
      %dma_start3A_642 = arith.constant 0 : i32
      %dma_start3A_643 = tpu.memref_slice %arg4[%add3A_631, %dma_start3A_642] : memref<819200x32xf32, #tpu.memory_space<hbm>> -> memref<256x32xf32, #tpu.memory_space<hbm>>
      %dma_start3A_644 = arith.constant 0 : i32
      %dma_start3A_645 = arith.constant 0 : i32
      %dma_start3A_646 = tpu.memref_slice %arg6[%dma_start3A_632, %dma_start3A_644, %dma_start3A_645] : memref<10x256x32xf32, #tpu.memory_space<vmem>> -> memref<1x256x32xf32, #tpu.memory_space<vmem>>
      %dma_start3A_647 = tpu.memref_squeeze %dma_start3A_646 : memref<1x256x32xf32, #tpu.memory_space<vmem>> -> memref<256x32xf32, #tpu.memory_space<vmem>>
      tpu.enqueue_dma source(%dma_start3A_647 : memref<256x32xf32, #tpu.memory_space<vmem>>) target(%dma_start3A_643 : memref<256x32xf32, #tpu.memory_space<hbm>>) target_semaphore(%dma_start3A_641 : memref<!tpu.dma_semaphore, #tpu.memory_space<semaphore_mem>>)
      %add3A_648 = arith.constant 5 : i32
      %add3A_649 = arith.addi %add3A_614, %add3A_648 : i32
      %lt3A_650 = arith.constant 100 : i32
      %lt3A_651 = arith.cmpi slt, %add3A_649, %lt3A_650 : i32
      %convert_element_type3A_652 = arith.extui %lt3A_651 : i1 to i32
      %cond3A_653 = arith.constant 0 : i32
      %cond3A_654 = arith.cmpi ne, %convert_element_type3A_652, %cond3A_653 : i32
      scf.if %cond3A_654 {
        %ge3A = arith.constant 10 : i32
        %ge3A_699 = arith.cmpi sge, %add3A_649, %ge3A : i32
        %convert_element_type3A_700 = arith.extui %ge3A_699 : i1 to i32
        %cond3A_701 = arith.constant 0 : i32
        %cond3A_702 = arith.cmpi ne, %convert_element_type3A_700, %cond3A_701 : i32
        scf.if %cond3A_702 {
          %sub3A = arith.constant 10 : i32
          %sub3A_717 = arith.subi %add3A_649, %sub3A : i32
          %mul3A_718 = arith.constant 256 : i32
          %mul3A_719 = arith.muli %sub3A_717, %mul3A_718 : i32
          %add3A_720 = arith.addi %mul3A_2, %mul3A_719 : i32
          %dma_wait3A_721 = arith.constant 3 : i32
          %dma_wait3A_722 = arith.constant 3 : i32
          %dma_wait3A_723 = arith.constant 0 : i32
          %dma_wait3A_724 = arith.constant 0 : i32
          %dma_wait3A_725 = tpu.memref_slice %arg6[%dma_wait3A_721, %dma_wait3A_723, %dma_wait3A_724] : memref<10x256x32xf32, #tpu.memory_space<vmem>> -> memref<1x256x32xf32, #tpu.memory_space<vmem>>
          %dma_wait3A_726 = tpu.memref_squeeze %dma_wait3A_725 : memref<1x256x32xf32, #tpu.memory_space<vmem>> -> memref<256x32xf32, #tpu.memory_space<vmem>>
          %dma_wait3A_727 = arith.constant 0 : i32
          %dma_wait3A_728 = tpu.memref_slice %arg4[%add3A_720, %dma_wait3A_727] : memref<819200x32xf32, #tpu.memory_space<hbm>> -> memref<256x32xf32, #tpu.memory_space<hbm>>
          %dma_wait3A_729 = tpu.memref_slice %arg8[%dma_wait3A_722] : memref<10x!tpu.dma_semaphore, #tpu.memory_space<semaphore_mem>> -> memref<1x!tpu.dma_semaphore, #tpu.memory_space<semaphore_mem>>
          %dma_wait3A_730 = tpu.memref_squeeze %dma_wait3A_729 : memref<1x!tpu.dma_semaphore, #tpu.memory_space<semaphore_mem>> -> memref<!tpu.dma_semaphore, #tpu.memory_space<semaphore_mem>>
          %dma_wait3A_731 = arith.constant 0 : i32
          %dma_wait3A_732 = tpu.memref_slice %arg4[%add3A_720, %dma_wait3A_731] : memref<819200x32xf32, #tpu.memory_space<hbm>> -> memref<256x32xf32, #tpu.memory_space<hbm>>
          %dma_wait3A_733 = arith.constant 0 : i32
          %dma_wait3A_734 = arith.constant 0 : i32
          %dma_wait3A_735 = tpu.memref_slice %arg6[%dma_wait3A_721, %dma_wait3A_733, %dma_wait3A_734] : memref<10x256x32xf32, #tpu.memory_space<vmem>> -> memref<1x256x32xf32, #tpu.memory_space<vmem>>
          %dma_wait3A_736 = tpu.memref_squeeze %dma_wait3A_735 : memref<1x256x32xf32, #tpu.memory_space<vmem>> -> memref<256x32xf32, #tpu.memory_space<vmem>>
          tpu.wait_dma2 semaphore(%dma_wait3A_730 : memref<!tpu.dma_semaphore, #tpu.memory_space<semaphore_mem>>) src(%dma_wait3A_736 : memref<256x32xf32, #tpu.memory_space<vmem>>) dst(%dma_wait3A_732 : memref<256x32xf32, #tpu.memory_space<hbm>>)
        } else {
        }
        %dma_start3A_703 = arith.constant 3 : i32
        %dma_start3A_704 = arith.constant 3 : i32
        %dma_start3A_705 = arith.constant 0 : i32
        %dma_start3A_706 = arith.constant 0 : i32
        %dma_start3A_707 = tpu.memref_slice %arg6[%dma_start3A_703, %dma_start3A_705, %dma_start3A_706] : memref<10x256x32xf32, #tpu.memory_space<vmem>> -> memref<1x256x32xf32, #tpu.memory_space<vmem>>
        %dma_start3A_708 = tpu.memref_squeeze %dma_start3A_707 : memref<1x256x32xf32, #tpu.memory_space<vmem>> -> memref<256x32xf32, #tpu.memory_space<vmem>>
        %dma_start3A_709 = arith.constant 0 : i32
        %dma_start3A_710 = tpu.memref_slice %arg5[%add3A_649, %dma_start3A_709] : memref<100x256xi32, #tpu.memory_space<vmem>> -> memref<1x256xi32, #tpu.memory_space<vmem>>
        %dma_start3A_711 = tpu.memref_squeeze %dma_start3A_710 : memref<1x256xi32, #tpu.memory_space<vmem>> -> memref<256xi32, #tpu.memory_space<vmem>>
        %dma_start3A_712 = arith.constant 0 : i32
        %dma_start3A_713 = arith.constant 0 : i32
        %dma_start3A_714 = tpu.memref_slice %arg3[%dma_start3A_712, %dma_start3A_713] : memref<1000000x32xf32, #tpu.memory_space<hbm>> -> memref<1000000x32xf32, #tpu.memory_space<hbm>>
        %dma_start3A_715 = tpu.memref_slice %arg7[%dma_start3A_704] : memref<10x!tpu.dma_semaphore, #tpu.memory_space<semaphore_mem>> -> memref<1x!tpu.dma_semaphore, #tpu.memory_space<semaphore_mem>>
        %dma_start3A_716 = tpu.memref_squeeze %dma_start3A_715 : memref<1x!tpu.dma_semaphore, #tpu.memory_space<semaphore_mem>> -> memref<!tpu.dma_semaphore, #tpu.memory_space<semaphore_mem>>
        tpu.enqueue_indirect_dma source(%dma_start3A_714 : memref<1000000x32xf32, #tpu.memory_space<hbm>>) target(%dma_start3A_708 : memref<256x32xf32, #tpu.memory_space<vmem>>) offsets(%dma_start3A_711 : memref<256xi32, #tpu.memory_space<vmem>>) semaphore(%dma_start3A_716 : memref<!tpu.dma_semaphore, #tpu.memory_space<semaphore_mem>>)
      } else {
      }
      %mul3A_655 = arith.constant 10 : i32
      %mul3A_656 = arith.muli %scan3A_261, %mul3A_655 : i32
      %add3A_657 = arith.constant 9 : i32
      %add3A_658 = arith.addi %mul3A_656, %add3A_657 : i32
      %dma_wait3A_659 = arith.constant 9 : i32
      %dma_wait3A_660 = arith.constant 9 : i32
      %dma_wait3A_661 = arith.constant 0 : i32
      %dma_wait3A_662 = arith.constant 0 : i32
      %dma_wait3A_663 = tpu.memref_slice %arg6[%dma_wait3A_659, %dma_wait3A_661, %dma_wait3A_662] : memref<10x256x32xf32, #tpu.memory_space<vmem>> -> memref<1x256x32xf32, #tpu.memory_space<vmem>>
      %dma_wait3A_664 = tpu.memref_squeeze %dma_wait3A_663 : memref<1x256x32xf32, #tpu.memory_space<vmem>> -> memref<256x32xf32, #tpu.memory_space<vmem>>
      %dma_wait3A_665 = arith.constant 0 : i32
      %dma_wait3A_666 = tpu.memref_slice %arg5[%add3A_658, %dma_wait3A_665] : memref<100x256xi32, #tpu.memory_space<vmem>> -> memref<1x256xi32, #tpu.memory_space<vmem>>
      %dma_wait3A_667 = tpu.memref_squeeze %dma_wait3A_666 : memref<1x256xi32, #tpu.memory_space<vmem>> -> memref<256xi32, #tpu.memory_space<vmem>>
      %dma_wait3A_668 = arith.constant 0 : i32
      %dma_wait3A_669 = arith.constant 0 : i32
      %dma_wait3A_670 = tpu.memref_slice %arg3[%dma_wait3A_668, %dma_wait3A_669] : memref<1000000x32xf32, #tpu.memory_space<hbm>> -> memref<1000000x32xf32, #tpu.memory_space<hbm>>
      %dma_wait3A_671 = tpu.memref_slice %arg7[%dma_wait3A_660] : memref<10x!tpu.dma_semaphore, #tpu.memory_space<semaphore_mem>> -> memref<1x!tpu.dma_semaphore, #tpu.memory_space<semaphore_mem>>
      %dma_wait3A_672 = tpu.memref_squeeze %dma_wait3A_671 : memref<1x!tpu.dma_semaphore, #tpu.memory_space<semaphore_mem>> -> memref<!tpu.dma_semaphore, #tpu.memory_space<semaphore_mem>>
      tpu.wait_indirect_dma semaphore(%dma_wait3A_672 : memref<!tpu.dma_semaphore, #tpu.memory_space<semaphore_mem>>) src(%dma_wait3A_670 : memref<1000000x32xf32, #tpu.memory_space<hbm>>) dst(%dma_wait3A_664 : memref<256x32xf32, #tpu.memory_space<vmem>>)
      %mul3A_673 = arith.constant 256 : i32
      %mul3A_674 = arith.muli %add3A_658, %mul3A_673 : i32
      %add3A_675 = arith.addi %mul3A_2, %mul3A_674 : i32
      %dma_start3A_676 = arith.constant 9 : i32
      %dma_start3A_677 = arith.constant 9 : i32
      %dma_start3A_678 = arith.constant 0 : i32
      %dma_start3A_679 = arith.constant 0 : i32
      %dma_start3A_680 = tpu.memref_slice %arg6[%dma_start3A_676, %dma_start3A_678, %dma_start3A_679] : memref<10x256x32xf32, #tpu.memory_space<vmem>> -> memref<1x256x32xf32, #tpu.memory_space<vmem>>
      %dma_start3A_681 = tpu.memref_squeeze %dma_start3A_680 : memref<1x256x32xf32, #tpu.memory_space<vmem>> -> memref<256x32xf32, #tpu.memory_space<vmem>>
      %dma_start3A_682 = arith.constant 0 : i32
      %dma_start3A_683 = tpu.memref_slice %arg4[%add3A_675, %dma_start3A_682] : memref<819200x32xf32, #tpu.memory_space<hbm>> -> memref<256x32xf32, #tpu.memory_space<hbm>>
      %dma_start3A_684 = tpu.memref_slice %arg8[%dma_start3A_677] : memref<10x!tpu.dma_semaphore, #tpu.memory_space<semaphore_mem>> -> memref<1x!tpu.dma_semaphore, #tpu.memory_space<semaphore_mem>>
      %dma_start3A_685 = tpu.memref_squeeze %dma_start3A_684 : memref<1x!tpu.dma_semaphore, #tpu.memory_space<semaphore_mem>> -> memref<!tpu.dma_semaphore, #tpu.memory_space<semaphore_mem>>
      %dma_start3A_686 = arith.constant 0 : i32
      %dma_start3A_687 = tpu.memref_slice %arg4[%add3A_675, %dma_start3A_686] : memref<819200x32xf32, #tpu.memory_space<hbm>> -> memref<256x32xf32, #tpu.memory_space<hbm>>
      %dma_start3A_688 = arith.constant 0 : i32
      %dma_start3A_689 = arith.constant 0 : i32
      %dma_start3A_690 = tpu.memref_slice %arg6[%dma_start3A_676, %dma_start3A_688, %dma_start3A_689] : memref<10x256x32xf32, #tpu.memory_space<vmem>> -> memref<1x256x32xf32, #tpu.memory_space<vmem>>
      %dma_start3A_691 = tpu.memref_squeeze %dma_start3A_690 : memref<1x256x32xf32, #tpu.memory_space<vmem>> -> memref<256x32xf32, #tpu.memory_space<vmem>>
      tpu.enqueue_dma source(%dma_start3A_691 : memref<256x32xf32, #tpu.memory_space<vmem>>) target(%dma_start3A_687 : memref<256x32xf32, #tpu.memory_space<hbm>>) target_semaphore(%dma_start3A_685 : memref<!tpu.dma_semaphore, #tpu.memory_space<semaphore_mem>>)
      %add3A_692 = arith.constant 5 : i32
      %add3A_693 = arith.addi %add3A_658, %add3A_692 : i32
      %lt3A_694 = arith.constant 100 : i32
      %lt3A_695 = arith.cmpi slt, %add3A_693, %lt3A_694 : i32
      %convert_element_type3A_696 = arith.extui %lt3A_695 : i1 to i32
      %cond3A_697 = arith.constant 0 : i32
      %cond3A_698 = arith.cmpi ne, %convert_element_type3A_696, %cond3A_697 : i32
      scf.if %cond3A_698 {
        %ge3A = arith.constant 10 : i32
        %ge3A_699 = arith.cmpi sge, %add3A_693, %ge3A : i32
        %convert_element_type3A_700 = arith.extui %ge3A_699 : i1 to i32
        %cond3A_701 = arith.constant 0 : i32
        %cond3A_702 = arith.cmpi ne, %convert_element_type3A_700, %cond3A_701 : i32
        scf.if %cond3A_702 {
          %sub3A = arith.constant 10 : i32
          %sub3A_717 = arith.subi %add3A_693, %sub3A : i32
          %mul3A_718 = arith.constant 256 : i32
          %mul3A_719 = arith.muli %sub3A_717, %mul3A_718 : i32
          %add3A_720 = arith.addi %mul3A_2, %mul3A_719 : i32
          %dma_wait3A_721 = arith.constant 4 : i32
          %dma_wait3A_722 = arith.constant 4 : i32
          %dma_wait3A_723 = arith.constant 0 : i32
          %dma_wait3A_724 = arith.constant 0 : i32
          %dma_wait3A_725 = tpu.memref_slice %arg6[%dma_wait3A_721, %dma_wait3A_723, %dma_wait3A_724] : memref<10x256x32xf32, #tpu.memory_space<vmem>> -> memref<1x256x32xf32, #tpu.memory_space<vmem>>
          %dma_wait3A_726 = tpu.memref_squeeze %dma_wait3A_725 : memref<1x256x32xf32, #tpu.memory_space<vmem>> -> memref<256x32xf32, #tpu.memory_space<vmem>>
          %dma_wait3A_727 = arith.constant 0 : i32
          %dma_wait3A_728 = tpu.memref_slice %arg4[%add3A_720, %dma_wait3A_727] : memref<819200x32xf32, #tpu.memory_space<hbm>> -> memref<256x32xf32, #tpu.memory_space<hbm>>
          %dma_wait3A_729 = tpu.memref_slice %arg8[%dma_wait3A_722] : memref<10x!tpu.dma_semaphore, #tpu.memory_space<semaphore_mem>> -> memref<1x!tpu.dma_semaphore, #tpu.memory_space<semaphore_mem>>
          %dma_wait3A_730 = tpu.memref_squeeze %dma_wait3A_729 : memref<1x!tpu.dma_semaphore, #tpu.memory_space<semaphore_mem>> -> memref<!tpu.dma_semaphore, #tpu.memory_space<semaphore_mem>>
          %dma_wait3A_731 = arith.constant 0 : i32
          %dma_wait3A_732 = tpu.memref_slice %arg4[%add3A_720, %dma_wait3A_731] : memref<819200x32xf32, #tpu.memory_space<hbm>> -> memref<256x32xf32, #tpu.memory_space<hbm>>
          %dma_wait3A_733 = arith.constant 0 : i32
          %dma_wait3A_734 = arith.constant 0 : i32
          %dma_wait3A_735 = tpu.memref_slice %arg6[%dma_wait3A_721, %dma_wait3A_733, %dma_wait3A_734] : memref<10x256x32xf32, #tpu.memory_space<vmem>> -> memref<1x256x32xf32, #tpu.memory_space<vmem>>
          %dma_wait3A_736 = tpu.memref_squeeze %dma_wait3A_735 : memref<1x256x32xf32, #tpu.memory_space<vmem>> -> memref<256x32xf32, #tpu.memory_space<vmem>>
          tpu.wait_dma2 semaphore(%dma_wait3A_730 : memref<!tpu.dma_semaphore, #tpu.memory_space<semaphore_mem>>) src(%dma_wait3A_736 : memref<256x32xf32, #tpu.memory_space<vmem>>) dst(%dma_wait3A_732 : memref<256x32xf32, #tpu.memory_space<hbm>>)
        } else {
        }
        %dma_start3A_703 = arith.constant 4 : i32
        %dma_start3A_704 = arith.constant 4 : i32
        %dma_start3A_705 = arith.constant 0 : i32
        %dma_start3A_706 = arith.constant 0 : i32
        %dma_start3A_707 = tpu.memref_slice %arg6[%dma_start3A_703, %dma_start3A_705, %dma_start3A_706] : memref<10x256x32xf32, #tpu.memory_space<vmem>> -> memref<1x256x32xf32, #tpu.memory_space<vmem>>
        %dma_start3A_708 = tpu.memref_squeeze %dma_start3A_707 : memref<1x256x32xf32, #tpu.memory_space<vmem>> -> memref<256x32xf32, #tpu.memory_space<vmem>>
        %dma_start3A_709 = arith.constant 0 : i32
        %dma_start3A_710 = tpu.memref_slice %arg5[%add3A_693, %dma_start3A_709] : memref<100x256xi32, #tpu.memory_space<vmem>> -> memref<1x256xi32, #tpu.memory_space<vmem>>
        %dma_start3A_711 = tpu.memref_squeeze %dma_start3A_710 : memref<1x256xi32, #tpu.memory_space<vmem>> -> memref<256xi32, #tpu.memory_space<vmem>>
        %dma_start3A_712 = arith.constant 0 : i32
        %dma_start3A_713 = arith.constant 0 : i32
        %dma_start3A_714 = tpu.memref_slice %arg3[%dma_start3A_712, %dma_start3A_713] : memref<1000000x32xf32, #tpu.memory_space<hbm>> -> memref<1000000x32xf32, #tpu.memory_space<hbm>>
        %dma_start3A_715 = tpu.memref_slice %arg7[%dma_start3A_704] : memref<10x!tpu.dma_semaphore, #tpu.memory_space<semaphore_mem>> -> memref<1x!tpu.dma_semaphore, #tpu.memory_space<semaphore_mem>>
        %dma_start3A_716 = tpu.memref_squeeze %dma_start3A_715 : memref<1x!tpu.dma_semaphore, #tpu.memory_space<semaphore_mem>> -> memref<!tpu.dma_semaphore, #tpu.memory_space<semaphore_mem>>
        tpu.enqueue_indirect_dma source(%dma_start3A_714 : memref<1000000x32xf32, #tpu.memory_space<hbm>>) target(%dma_start3A_708 : memref<256x32xf32, #tpu.memory_space<vmem>>) offsets(%dma_start3A_711 : memref<256xi32, #tpu.memory_space<vmem>>) semaphore(%dma_start3A_716 : memref<!tpu.dma_semaphore, #tpu.memory_space<semaphore_mem>>)
      } else {
      }
    }
    %scan3A_81 = arith.constant 10 : i32
    %add3A_82 = arith.constant 23040 : i32
    %add3A_83 = arith.addi %mul3A_2, %add3A_82 : i32
    %dma_wait3A = arith.constant 0 : i32
    %dma_wait3A_84 = arith.constant 0 : i32
    %dma_wait3A_85 = arith.constant 0 : i32
    %dma_wait3A_86 = arith.constant 0 : i32
    %dma_wait3A_87 = tpu.memref_slice %arg6[%dma_wait3A, %dma_wait3A_85, %dma_wait3A_86] : memref<10x256x32xf32, #tpu.memory_space<vmem>> -> memref<1x256x32xf32, #tpu.memory_space<vmem>>
    %dma_wait3A_88 = tpu.memref_squeeze %dma_wait3A_87 : memref<1x256x32xf32, #tpu.memory_space<vmem>> -> memref<256x32xf32, #tpu.memory_space<vmem>>
    %dma_wait3A_89 = arith.constant 0 : i32
    %dma_wait3A_90 = tpu.memref_slice %arg4[%add3A_83, %dma_wait3A_89] : memref<819200x32xf32, #tpu.memory_space<hbm>> -> memref<256x32xf32, #tpu.memory_space<hbm>>
    %dma_wait3A_91 = tpu.memref_slice %arg8[%dma_wait3A_84] : memref<10x!tpu.dma_semaphore, #tpu.memory_space<semaphore_mem>> -> memref<1x!tpu.dma_semaphore, #tpu.memory_space<semaphore_mem>>
    %dma_wait3A_92 = tpu.memref_squeeze %dma_wait3A_91 : memref<1x!tpu.dma_semaphore, #tpu.memory_space<semaphore_mem>> -> memref<!tpu.dma_semaphore, #tpu.memory_space<semaphore_mem>>
    %dma_wait3A_93 = arith.constant 0 : i32
    %dma_wait3A_94 = tpu.memref_slice %arg4[%add3A_83, %dma_wait3A_93] : memref<819200x32xf32, #tpu.memory_space<hbm>> -> memref<256x32xf32, #tpu.memory_space<hbm>>
    %dma_wait3A_95 = arith.constant 0 : i32
    %dma_wait3A_96 = arith.constant 0 : i32
    %dma_wait3A_97 = tpu.memref_slice %arg6[%dma_wait3A, %dma_wait3A_95, %dma_wait3A_96] : memref<10x256x32xf32, #tpu.memory_space<vmem>> -> memref<1x256x32xf32, #tpu.memory_space<vmem>>
    %dma_wait3A_98 = tpu.memref_squeeze %dma_wait3A_97 : memref<1x256x32xf32, #tpu.memory_space<vmem>> -> memref<256x32xf32, #tpu.memory_space<vmem>>
    tpu.wait_dma2 semaphore(%dma_wait3A_92 : memref<!tpu.dma_semaphore, #tpu.memory_space<semaphore_mem>>) src(%dma_wait3A_98 : memref<256x32xf32, #tpu.memory_space<vmem>>) dst(%dma_wait3A_94 : memref<256x32xf32, #tpu.memory_space<hbm>>)
    %add3A_99 = arith.constant 23296 : i32
    %add3A_100 = arith.addi %mul3A_2, %add3A_99 : i32
    %dma_wait3A_101 = arith.constant 1 : i32
    %dma_wait3A_102 = arith.constant 1 : i32
    %dma_wait3A_103 = arith.constant 0 : i32
    %dma_wait3A_104 = arith.constant 0 : i32
    %dma_wait3A_105 = tpu.memref_slice %arg6[%dma_wait3A_101, %dma_wait3A_103, %dma_wait3A_104] : memref<10x256x32xf32, #tpu.memory_space<vmem>> -> memref<1x256x32xf32, #tpu.memory_space<vmem>>
    %dma_wait3A_106 = tpu.memref_squeeze %dma_wait3A_105 : memref<1x256x32xf32, #tpu.memory_space<vmem>> -> memref<256x32xf32, #tpu.memory_space<vmem>>
    %dma_wait3A_107 = arith.constant 0 : i32
    %dma_wait3A_108 = tpu.memref_slice %arg4[%add3A_100, %dma_wait3A_107] : memref<819200x32xf32, #tpu.memory_space<hbm>> -> memref<256x32xf32, #tpu.memory_space<hbm>>
    %dma_wait3A_109 = tpu.memref_slice %arg8[%dma_wait3A_102] : memref<10x!tpu.dma_semaphore, #tpu.memory_space<semaphore_mem>> -> memref<1x!tpu.dma_semaphore, #tpu.memory_space<semaphore_mem>>
    %dma_wait3A_110 = tpu.memref_squeeze %dma_wait3A_109 : memref<1x!tpu.dma_semaphore, #tpu.memory_space<semaphore_mem>> -> memref<!tpu.dma_semaphore, #tpu.memory_space<semaphore_mem>>
    %dma_wait3A_111 = arith.constant 0 : i32
    %dma_wait3A_112 = tpu.memref_slice %arg4[%add3A_100, %dma_wait3A_111] : memref<819200x32xf32, #tpu.memory_space<hbm>> -> memref<256x32xf32, #tpu.memory_space<hbm>>
    %dma_wait3A_113 = arith.constant 0 : i32
    %dma_wait3A_114 = arith.constant 0 : i32
    %dma_wait3A_115 = tpu.memref_slice %arg6[%dma_wait3A_101, %dma_wait3A_113, %dma_wait3A_114] : memref<10x256x32xf32, #tpu.memory_space<vmem>> -> memref<1x256x32xf32, #tpu.memory_space<vmem>>
    %dma_wait3A_116 = tpu.memref_squeeze %dma_wait3A_115 : memref<1x256x32xf32, #tpu.memory_space<vmem>> -> memref<256x32xf32, #tpu.memory_space<vmem>>
    tpu.wait_dma2 semaphore(%dma_wait3A_110 : memref<!tpu.dma_semaphore, #tpu.memory_space<semaphore_mem>>) src(%dma_wait3A_116 : memref<256x32xf32, #tpu.memory_space<vmem>>) dst(%dma_wait3A_112 : memref<256x32xf32, #tpu.memory_space<hbm>>)
    %add3A_117 = arith.constant 23552 : i32
    %add3A_118 = arith.addi %mul3A_2, %add3A_117 : i32
    %dma_wait3A_119 = arith.constant 2 : i32
    %dma_wait3A_120 = arith.constant 2 : i32
    %dma_wait3A_121 = arith.constant 0 : i32
    %dma_wait3A_122 = arith.constant 0 : i32
    %dma_wait3A_123 = tpu.memref_slice %arg6[%dma_wait3A_119, %dma_wait3A_121, %dma_wait3A_122] : memref<10x256x32xf32, #tpu.memory_space<vmem>> -> memref<1x256x32xf32, #tpu.memory_space<vmem>>
    %dma_wait3A_124 = tpu.memref_squeeze %dma_wait3A_123 : memref<1x256x32xf32, #tpu.memory_space<vmem>> -> memref<256x32xf32, #tpu.memory_space<vmem>>
    %dma_wait3A_125 = arith.constant 0 : i32
    %dma_wait3A_126 = tpu.memref_slice %arg4[%add3A_118, %dma_wait3A_125] : memref<819200x32xf32, #tpu.memory_space<hbm>> -> memref<256x32xf32, #tpu.memory_space<hbm>>
    %dma_wait3A_127 = tpu.memref_slice %arg8[%dma_wait3A_120] : memref<10x!tpu.dma_semaphore, #tpu.memory_space<semaphore_mem>> -> memref<1x!tpu.dma_semaphore, #tpu.memory_space<semaphore_mem>>
    %dma_wait3A_128 = tpu.memref_squeeze %dma_wait3A_127 : memref<1x!tpu.dma_semaphore, #tpu.memory_space<semaphore_mem>> -> memref<!tpu.dma_semaphore, #tpu.memory_space<semaphore_mem>>
    %dma_wait3A_129 = arith.constant 0 : i32
    %dma_wait3A_130 = tpu.memref_slice %arg4[%add3A_118, %dma_wait3A_129] : memref<819200x32xf32, #tpu.memory_space<hbm>> -> memref<256x32xf32, #tpu.memory_space<hbm>>
    %dma_wait3A_131 = arith.constant 0 : i32
    %dma_wait3A_132 = arith.constant 0 : i32
    %dma_wait3A_133 = tpu.memref_slice %arg6[%dma_wait3A_119, %dma_wait3A_131, %dma_wait3A_132] : memref<10x256x32xf32, #tpu.memory_space<vmem>> -> memref<1x256x32xf32, #tpu.memory_space<vmem>>
    %dma_wait3A_134 = tpu.memref_squeeze %dma_wait3A_133 : memref<1x256x32xf32, #tpu.memory_space<vmem>> -> memref<256x32xf32, #tpu.memory_space<vmem>>
    tpu.wait_dma2 semaphore(%dma_wait3A_128 : memref<!tpu.dma_semaphore, #tpu.memory_space<semaphore_mem>>) src(%dma_wait3A_134 : memref<256x32xf32, #tpu.memory_space<vmem>>) dst(%dma_wait3A_130 : memref<256x32xf32, #tpu.memory_space<hbm>>)
    %add3A_135 = arith.constant 23808 : i32
    %add3A_136 = arith.addi %mul3A_2, %add3A_135 : i32
    %dma_wait3A_137 = arith.constant 3 : i32
    %dma_wait3A_138 = arith.constant 3 : i32
    %dma_wait3A_139 = arith.constant 0 : i32
    %dma_wait3A_140 = arith.constant 0 : i32
    %dma_wait3A_141 = tpu.memref_slice %arg6[%dma_wait3A_137, %dma_wait3A_139, %dma_wait3A_140] : memref<10x256x32xf32, #tpu.memory_space<vmem>> -> memref<1x256x32xf32, #tpu.memory_space<vmem>>
    %dma_wait3A_142 = tpu.memref_squeeze %dma_wait3A_141 : memref<1x256x32xf32, #tpu.memory_space<vmem>> -> memref<256x32xf32, #tpu.memory_space<vmem>>
    %dma_wait3A_143 = arith.constant 0 : i32
    %dma_wait3A_144 = tpu.memref_slice %arg4[%add3A_136, %dma_wait3A_143] : memref<819200x32xf32, #tpu.memory_space<hbm>> -> memref<256x32xf32, #tpu.memory_space<hbm>>
    %dma_wait3A_145 = tpu.memref_slice %arg8[%dma_wait3A_138] : memref<10x!tpu.dma_semaphore, #tpu.memory_space<semaphore_mem>> -> memref<1x!tpu.dma_semaphore, #tpu.memory_space<semaphore_mem>>
    %dma_wait3A_146 = tpu.memref_squeeze %dma_wait3A_145 : memref<1x!tpu.dma_semaphore, #tpu.memory_space<semaphore_mem>> -> memref<!tpu.dma_semaphore, #tpu.memory_space<semaphore_mem>>
    %dma_wait3A_147 = arith.constant 0 : i32
    %dma_wait3A_148 = tpu.memref_slice %arg4[%add3A_136, %dma_wait3A_147] : memref<819200x32xf32, #tpu.memory_space<hbm>> -> memref<256x32xf32, #tpu.memory_space<hbm>>
    %dma_wait3A_149 = arith.constant 0 : i32
    %dma_wait3A_150 = arith.constant 0 : i32
    %dma_wait3A_151 = tpu.memref_slice %arg6[%dma_wait3A_137, %dma_wait3A_149, %dma_wait3A_150] : memref<10x256x32xf32, #tpu.memory_space<vmem>> -> memref<1x256x32xf32, #tpu.memory_space<vmem>>
    %dma_wait3A_152 = tpu.memref_squeeze %dma_wait3A_151 : memref<1x256x32xf32, #tpu.memory_space<vmem>> -> memref<256x32xf32, #tpu.memory_space<vmem>>
    tpu.wait_dma2 semaphore(%dma_wait3A_146 : memref<!tpu.dma_semaphore, #tpu.memory_space<semaphore_mem>>) src(%dma_wait3A_152 : memref<256x32xf32, #tpu.memory_space<vmem>>) dst(%dma_wait3A_148 : memref<256x32xf32, #tpu.memory_space<hbm>>)
    %add3A_153 = arith.constant 24064 : i32
    %add3A_154 = arith.addi %mul3A_2, %add3A_153 : i32
    %dma_wait3A_155 = arith.constant 4 : i32
    %dma_wait3A_156 = arith.constant 4 : i32
    %dma_wait3A_157 = arith.constant 0 : i32
    %dma_wait3A_158 = arith.constant 0 : i32
    %dma_wait3A_159 = tpu.memref_slice %arg6[%dma_wait3A_155, %dma_wait3A_157, %dma_wait3A_158] : memref<10x256x32xf32, #tpu.memory_space<vmem>> -> memref<1x256x32xf32, #tpu.memory_space<vmem>>
    %dma_wait3A_160 = tpu.memref_squeeze %dma_wait3A_159 : memref<1x256x32xf32, #tpu.memory_space<vmem>> -> memref<256x32xf32, #tpu.memory_space<vmem>>
    %dma_wait3A_161 = arith.constant 0 : i32
    %dma_wait3A_162 = tpu.memref_slice %arg4[%add3A_154, %dma_wait3A_161] : memref<819200x32xf32, #tpu.memory_space<hbm>> -> memref<256x32xf32, #tpu.memory_space<hbm>>
    %dma_wait3A_163 = tpu.memref_slice %arg8[%dma_wait3A_156] : memref<10x!tpu.dma_semaphore, #tpu.memory_space<semaphore_mem>> -> memref<1x!tpu.dma_semaphore, #tpu.memory_space<semaphore_mem>>
    %dma_wait3A_164 = tpu.memref_squeeze %dma_wait3A_163 : memref<1x!tpu.dma_semaphore, #tpu.memory_space<semaphore_mem>> -> memref<!tpu.dma_semaphore, #tpu.memory_space<semaphore_mem>>
    %dma_wait3A_165 = arith.constant 0 : i32
    %dma_wait3A_166 = tpu.memref_slice %arg4[%add3A_154, %dma_wait3A_165] : memref<819200x32xf32, #tpu.memory_space<hbm>> -> memref<256x32xf32, #tpu.memory_space<hbm>>
    %dma_wait3A_167 = arith.constant 0 : i32
    %dma_wait3A_168 = arith.constant 0 : i32
    %dma_wait3A_169 = tpu.memref_slice %arg6[%dma_wait3A_155, %dma_wait3A_167, %dma_wait3A_168] : memref<10x256x32xf32, #tpu.memory_space<vmem>> -> memref<1x256x32xf32, #tpu.memory_space<vmem>>
    %dma_wait3A_170 = tpu.memref_squeeze %dma_wait3A_169 : memref<1x256x32xf32, #tpu.memory_space<vmem>> -> memref<256x32xf32, #tpu.memory_space<vmem>>
    tpu.wait_dma2 semaphore(%dma_wait3A_164 : memref<!tpu.dma_semaphore, #tpu.memory_space<semaphore_mem>>) src(%dma_wait3A_170 : memref<256x32xf32, #tpu.memory_space<vmem>>) dst(%dma_wait3A_166 : memref<256x32xf32, #tpu.memory_space<hbm>>)
    %add3A_171 = arith.constant 24320 : i32
    %add3A_172 = arith.addi %mul3A_2, %add3A_171 : i32
    %dma_wait3A_173 = arith.constant 5 : i32
    %dma_wait3A_174 = arith.constant 5 : i32
    %dma_wait3A_175 = arith.constant 0 : i32
    %dma_wait3A_176 = arith.constant 0 : i32
    %dma_wait3A_177 = tpu.memref_slice %arg6[%dma_wait3A_173, %dma_wait3A_175, %dma_wait3A_176] : memref<10x256x32xf32, #tpu.memory_space<vmem>> -> memref<1x256x32xf32, #tpu.memory_space<vmem>>
    %dma_wait3A_178 = tpu.memref_squeeze %dma_wait3A_177 : memref<1x256x32xf32, #tpu.memory_space<vmem>> -> memref<256x32xf32, #tpu.memory_space<vmem>>
    %dma_wait3A_179 = arith.constant 0 : i32
    %dma_wait3A_180 = tpu.memref_slice %arg4[%add3A_172, %dma_wait3A_179] : memref<819200x32xf32, #tpu.memory_space<hbm>> -> memref<256x32xf32, #tpu.memory_space<hbm>>
    %dma_wait3A_181 = tpu.memref_slice %arg8[%dma_wait3A_174] : memref<10x!tpu.dma_semaphore, #tpu.memory_space<semaphore_mem>> -> memref<1x!tpu.dma_semaphore, #tpu.memory_space<semaphore_mem>>
    %dma_wait3A_182 = tpu.memref_squeeze %dma_wait3A_181 : memref<1x!tpu.dma_semaphore, #tpu.memory_space<semaphore_mem>> -> memref<!tpu.dma_semaphore, #tpu.memory_space<semaphore_mem>>
    %dma_wait3A_183 = arith.constant 0 : i32
    %dma_wait3A_184 = tpu.memref_slice %arg4[%add3A_172, %dma_wait3A_183] : memref<819200x32xf32, #tpu.memory_space<hbm>> -> memref<256x32xf32, #tpu.memory_space<hbm>>
    %dma_wait3A_185 = arith.constant 0 : i32
    %dma_wait3A_186 = arith.constant 0 : i32
    %dma_wait3A_187 = tpu.memref_slice %arg6[%dma_wait3A_173, %dma_wait3A_185, %dma_wait3A_186] : memref<10x256x32xf32, #tpu.memory_space<vmem>> -> memref<1x256x32xf32, #tpu.memory_space<vmem>>
    %dma_wait3A_188 = tpu.memref_squeeze %dma_wait3A_187 : memref<1x256x32xf32, #tpu.memory_space<vmem>> -> memref<256x32xf32, #tpu.memory_space<vmem>>
    tpu.wait_dma2 semaphore(%dma_wait3A_182 : memref<!tpu.dma_semaphore, #tpu.memory_space<semaphore_mem>>) src(%dma_wait3A_188 : memref<256x32xf32, #tpu.memory_space<vmem>>) dst(%dma_wait3A_184 : memref<256x32xf32, #tpu.memory_space<hbm>>)
    %add3A_189 = arith.constant 24576 : i32
    %add3A_190 = arith.addi %mul3A_2, %add3A_189 : i32
    %dma_wait3A_191 = arith.constant 6 : i32
    %dma_wait3A_192 = arith.constant 6 : i32
    %dma_wait3A_193 = arith.constant 0 : i32
    %dma_wait3A_194 = arith.constant 0 : i32
    %dma_wait3A_195 = tpu.memref_slice %arg6[%dma_wait3A_191, %dma_wait3A_193, %dma_wait3A_194] : memref<10x256x32xf32, #tpu.memory_space<vmem>> -> memref<1x256x32xf32, #tpu.memory_space<vmem>>
    %dma_wait3A_196 = tpu.memref_squeeze %dma_wait3A_195 : memref<1x256x32xf32, #tpu.memory_space<vmem>> -> memref<256x32xf32, #tpu.memory_space<vmem>>
    %dma_wait3A_197 = arith.constant 0 : i32
    %dma_wait3A_198 = tpu.memref_slice %arg4[%add3A_190, %dma_wait3A_197] : memref<819200x32xf32, #tpu.memory_space<hbm>> -> memref<256x32xf32, #tpu.memory_space<hbm>>
    %dma_wait3A_199 = tpu.memref_slice %arg8[%dma_wait3A_192] : memref<10x!tpu.dma_semaphore, #tpu.memory_space<semaphore_mem>> -> memref<1x!tpu.dma_semaphore, #tpu.memory_space<semaphore_mem>>
    %dma_wait3A_200 = tpu.memref_squeeze %dma_wait3A_199 : memref<1x!tpu.dma_semaphore, #tpu.memory_space<semaphore_mem>> -> memref<!tpu.dma_semaphore, #tpu.memory_space<semaphore_mem>>
    %dma_wait3A_201 = arith.constant 0 : i32
    %dma_wait3A_202 = tpu.memref_slice %arg4[%add3A_190, %dma_wait3A_201] : memref<819200x32xf32, #tpu.memory_space<hbm>> -> memref<256x32xf32, #tpu.memory_space<hbm>>
    %dma_wait3A_203 = arith.constant 0 : i32
    %dma_wait3A_204 = arith.constant 0 : i32
    %dma_wait3A_205 = tpu.memref_slice %arg6[%dma_wait3A_191, %dma_wait3A_203, %dma_wait3A_204] : memref<10x256x32xf32, #tpu.memory_space<vmem>> -> memref<1x256x32xf32, #tpu.memory_space<vmem>>
    %dma_wait3A_206 = tpu.memref_squeeze %dma_wait3A_205 : memref<1x256x32xf32, #tpu.memory_space<vmem>> -> memref<256x32xf32, #tpu.memory_space<vmem>>
    tpu.wait_dma2 semaphore(%dma_wait3A_200 : memref<!tpu.dma_semaphore, #tpu.memory_space<semaphore_mem>>) src(%dma_wait3A_206 : memref<256x32xf32, #tpu.memory_space<vmem>>) dst(%dma_wait3A_202 : memref<256x32xf32, #tpu.memory_space<hbm>>)
    %add3A_207 = arith.constant 24832 : i32
    %add3A_208 = arith.addi %mul3A_2, %add3A_207 : i32
    %dma_wait3A_209 = arith.constant 7 : i32
    %dma_wait3A_210 = arith.constant 7 : i32
    %dma_wait3A_211 = arith.constant 0 : i32
    %dma_wait3A_212 = arith.constant 0 : i32
    %dma_wait3A_213 = tpu.memref_slice %arg6[%dma_wait3A_209, %dma_wait3A_211, %dma_wait3A_212] : memref<10x256x32xf32, #tpu.memory_space<vmem>> -> memref<1x256x32xf32, #tpu.memory_space<vmem>>
    %dma_wait3A_214 = tpu.memref_squeeze %dma_wait3A_213 : memref<1x256x32xf32, #tpu.memory_space<vmem>> -> memref<256x32xf32, #tpu.memory_space<vmem>>
    %dma_wait3A_215 = arith.constant 0 : i32
    %dma_wait3A_216 = tpu.memref_slice %arg4[%add3A_208, %dma_wait3A_215] : memref<819200x32xf32, #tpu.memory_space<hbm>> -> memref<256x32xf32, #tpu.memory_space<hbm>>
    %dma_wait3A_217 = tpu.memref_slice %arg8[%dma_wait3A_210] : memref<10x!tpu.dma_semaphore, #tpu.memory_space<semaphore_mem>> -> memref<1x!tpu.dma_semaphore, #tpu.memory_space<semaphore_mem>>
    %dma_wait3A_218 = tpu.memref_squeeze %dma_wait3A_217 : memref<1x!tpu.dma_semaphore, #tpu.memory_space<semaphore_mem>> -> memref<!tpu.dma_semaphore, #tpu.memory_space<semaphore_mem>>
    %dma_wait3A_219 = arith.constant 0 : i32
    %dma_wait3A_220 = tpu.memref_slice %arg4[%add3A_208, %dma_wait3A_219] : memref<819200x32xf32, #tpu.memory_space<hbm>> -> memref<256x32xf32, #tpu.memory_space<hbm>>
    %dma_wait3A_221 = arith.constant 0 : i32
    %dma_wait3A_222 = arith.constant 0 : i32
    %dma_wait3A_223 = tpu.memref_slice %arg6[%dma_wait3A_209, %dma_wait3A_221, %dma_wait3A_222] : memref<10x256x32xf32, #tpu.memory_space<vmem>> -> memref<1x256x32xf32, #tpu.memory_space<vmem>>
    %dma_wait3A_224 = tpu.memref_squeeze %dma_wait3A_223 : memref<1x256x32xf32, #tpu.memory_space<vmem>> -> memref<256x32xf32, #tpu.memory_space<vmem>>
    tpu.wait_dma2 semaphore(%dma_wait3A_218 : memref<!tpu.dma_semaphore, #tpu.memory_space<semaphore_mem>>) src(%dma_wait3A_224 : memref<256x32xf32, #tpu.memory_space<vmem>>) dst(%dma_wait3A_220 : memref<256x32xf32, #tpu.memory_space<hbm>>)
    %add3A_225 = arith.constant 25088 : i32
    %add3A_226 = arith.addi %mul3A_2, %add3A_225 : i32
    %dma_wait3A_227 = arith.constant 8 : i32
    %dma_wait3A_228 = arith.constant 8 : i32
    %dma_wait3A_229 = arith.constant 0 : i32
    %dma_wait3A_230 = arith.constant 0 : i32
    %dma_wait3A_231 = tpu.memref_slice %arg6[%dma_wait3A_227, %dma_wait3A_229, %dma_wait3A_230] : memref<10x256x32xf32, #tpu.memory_space<vmem>> -> memref<1x256x32xf32, #tpu.memory_space<vmem>>
    %dma_wait3A_232 = tpu.memref_squeeze %dma_wait3A_231 : memref<1x256x32xf32, #tpu.memory_space<vmem>> -> memref<256x32xf32, #tpu.memory_space<vmem>>
    %dma_wait3A_233 = arith.constant 0 : i32
    %dma_wait3A_234 = tpu.memref_slice %arg4[%add3A_226, %dma_wait3A_233] : memref<819200x32xf32, #tpu.memory_space<hbm>> -> memref<256x32xf32, #tpu.memory_space<hbm>>
    %dma_wait3A_235 = tpu.memref_slice %arg8[%dma_wait3A_228] : memref<10x!tpu.dma_semaphore, #tpu.memory_space<semaphore_mem>> -> memref<1x!tpu.dma_semaphore, #tpu.memory_space<semaphore_mem>>
    %dma_wait3A_236 = tpu.memref_squeeze %dma_wait3A_235 : memref<1x!tpu.dma_semaphore, #tpu.memory_space<semaphore_mem>> -> memref<!tpu.dma_semaphore, #tpu.memory_space<semaphore_mem>>
    %dma_wait3A_237 = arith.constant 0 : i32
    %dma_wait3A_238 = tpu.memref_slice %arg4[%add3A_226, %dma_wait3A_237] : memref<819200x32xf32, #tpu.memory_space<hbm>> -> memref<256x32xf32, #tpu.memory_space<hbm>>
    %dma_wait3A_239 = arith.constant 0 : i32
    %dma_wait3A_240 = arith.constant 0 : i32
    %dma_wait3A_241 = tpu.memref_slice %arg6[%dma_wait3A_227, %dma_wait3A_239, %dma_wait3A_240] : memref<10x256x32xf32, #tpu.memory_space<vmem>> -> memref<1x256x32xf32, #tpu.memory_space<vmem>>
    %dma_wait3A_242 = tpu.memref_squeeze %dma_wait3A_241 : memref<1x256x32xf32, #tpu.memory_space<vmem>> -> memref<256x32xf32, #tpu.memory_space<vmem>>
    tpu.wait_dma2 semaphore(%dma_wait3A_236 : memref<!tpu.dma_semaphore, #tpu.memory_space<semaphore_mem>>) src(%dma_wait3A_242 : memref<256x32xf32, #tpu.memory_space<vmem>>) dst(%dma_wait3A_238 : memref<256x32xf32, #tpu.memory_space<hbm>>)
    %add3A_243 = arith.constant 25344 : i32
    %add3A_244 = arith.addi %mul3A_2, %add3A_243 : i32
    %dma_wait3A_245 = arith.constant 9 : i32
    %dma_wait3A_246 = arith.constant 9 : i32
    %dma_wait3A_247 = arith.constant 0 : i32
    %dma_wait3A_248 = arith.constant 0 : i32
    %dma_wait3A_249 = tpu.memref_slice %arg6[%dma_wait3A_245, %dma_wait3A_247, %dma_wait3A_248] : memref<10x256x32xf32, #tpu.memory_space<vmem>> -> memref<1x256x32xf32, #tpu.memory_space<vmem>>
    %dma_wait3A_250 = tpu.memref_squeeze %dma_wait3A_249 : memref<1x256x32xf32, #tpu.memory_space<vmem>> -> memref<256x32xf32, #tpu.memory_space<vmem>>
    %dma_wait3A_251 = arith.constant 0 : i32
    %dma_wait3A_252 = tpu.memref_slice %arg4[%add3A_244, %dma_wait3A_251] : memref<819200x32xf32, #tpu.memory_space<hbm>> -> memref<256x32xf32, #tpu.memory_space<hbm>>
    %dma_wait3A_253 = tpu.memref_slice %arg8[%dma_wait3A_246] : memref<10x!tpu.dma_semaphore, #tpu.memory_space<semaphore_mem>> -> memref<1x!tpu.dma_semaphore, #tpu.memory_space<semaphore_mem>>
    %dma_wait3A_254 = tpu.memref_squeeze %dma_wait3A_253 : memref<1x!tpu.dma_semaphore, #tpu.memory_space<semaphore_mem>> -> memref<!tpu.dma_semaphore, #tpu.memory_space<semaphore_mem>>
    %dma_wait3A_255 = arith.constant 0 : i32
    %dma_wait3A_256 = tpu.memref_slice %arg4[%add3A_244, %dma_wait3A_255] : memref<819200x32xf32, #tpu.memory_space<hbm>> -> memref<256x32xf32, #tpu.memory_space<hbm>>
    %dma_wait3A_257 = arith.constant 0 : i32
    %dma_wait3A_258 = arith.constant 0 : i32
    %dma_wait3A_259 = tpu.memref_slice %arg6[%dma_wait3A_245, %dma_wait3A_257, %dma_wait3A_258] : memref<10x256x32xf32, #tpu.memory_space<vmem>> -> memref<1x256x32xf32, #tpu.memory_space<vmem>>
    %dma_wait3A_260 = tpu.memref_squeeze %dma_wait3A_259 : memref<1x256x32xf32, #tpu.memory_space<vmem>> -> memref<256x32xf32, #tpu.memory_space<vmem>>
    tpu.wait_dma2 semaphore(%dma_wait3A_254 : memref<!tpu.dma_semaphore, #tpu.memory_space<semaphore_mem>>) src(%dma_wait3A_260 : memref<256x32xf32, #tpu.memory_space<vmem>>) dst(%dma_wait3A_256 : memref<256x32xf32, #tpu.memory_space<hbm>>)
    return
  }
}

</mosaic_0001>

<sc_bundles>
// kernel: kernel.3.cloned.1.call-start
scs
__scs_entry_jumppad:
0x0: {  	(pc) =	sbr.rel $0x88, $3  }
0x1: {  	(tag) =	ssettag $0x0;
	lr =	simm.s32 $0x1  }
0x2: {  	[smem:$0x3F9F] =	sst lr;
	_ =	strace $0xD0000000  }
0x3: {  	_ = 	snop  }
0x4: {  	_ = 	snop  }
0x5: {  	_ = 	snop  }
0x6: {  	_ = 	snop  }
0x7: {  	_ = 	snop  }
__scs_overlays_trampoline_lowered:
0x8: {  	[smem:$0x3FAE] =	sst s0  }
0x9: {  	[smem:$0x3FAF] =	sst s1  }
0xa: {  	[smem:$0x3FB0] =	sst s2  }
0xb: {  	[smem:$0x3FB1] =	sst s3  }
0xc: {  	[smem:$0x3FB2] =	sst s4  }
0xd: {  	[smem:$0x3FB3] =	sst s5  }
0xe: {  	[smem:$0x3FB4] =	sst s6  }
0xf: {  	[smem:$0x3FB5] =	sst s7  }
0x10: {  	[smem:$0x3FB6] =	sst s8  }
0x11: {  	[smem:$0x3FB7] =	sst s9;
	s0 =	simm.s32 @!p0 $0x0  }
0x12: {  	s1 =	sld [smem:$0x3F9D];
	s0 =	simm.s32 @p0 $0x1  }
0x13: {  	[smem:$0x3FB8] =	sst s0;
	s0 =	simm.s32 @!p1 $0x0  }
0x14: {  	s2 =	sld [smem:$0x3F9C];
	s0 =	simm.s32 @p1 $0x1  }
0x15: {  	[smem:$0x3FB9] =	sst s0;
	s0 =	simm.s32 @!p2 $0x0  }
0x16: {  	s3 =	sld [smem:$0x3FDB];
	s0 =	simm.s32 @p2 $0x1  }
0x17: {  	s4 =	simm.s32 $0x1BF5;
	[smem:$0x3FBB] =	sst s0  }
0x18: {  	s0 =	sld [smem:$0x3F9E];
	_ =	swait.ge [sflag:s4], $0x0  }
0x19: {  	s7 =	sld [smem:$0x3F9F]  }
0x1a: {  	s8 =	sadd.s32 $0xFFFFE003, lr  }
0x1b: {  	s9 =	sadd.s32 $0xFFFFFEF7, lr;
	s5 =	simm.s32 $0xFFFFFFFF;
	p2 =	slt.u32 s8, $0xFFFFF086  }
0x1c: {  	p1 =	slt.u32 s9, $0xF7A;
	s5 =	simm.s32 @!p2 $0x0  }
0x1d: {  	s5 =	simm.s32 @p1 $0x1;
	p0 =	seq.s32 s7, s2  }
0x1e: {  	s7 =	smul.u32 @!p0 $0xF7A, s2;
	p2 =	seq.s32 @!p0 s5, $0x0  }
0x1f: {  	s9 =	smul.u32 $0xF7A, s1;
	s8 =	simm.s32 @!p0 $0x1BF5;
	p2 =	por !p2, p0  }
0x20: {  	[sflag:s8] =	ssyncset.s32 @!p0 $0xFFFFF086;
	s6 =	sadd.s32 @!p0 s3, s7;
	s7 =	simm.s32 @!p0 $0x108  }
0x21: {  	s3 =	sadd.s32 s3, s9;
	s6 =	sadd.s32 @!p0 $0x88, s6;
	s7 =	simm.s32 @p2 $0x1082  }
0x22: {  	[simem:s7], [sflag:s8] =	dma.local @!p0 [hbm:s6], $0xF7A  }
0x23: {  	s9 =	sor.u32 $0xD0000000, s2;
	s6 =	simm.s32 $0x108;
	_ =	swait.ge @!p0 [sflag:s8], $0x0  }
0x24: {  	s3 =	sadd.s32 $0x88, s3;
	s6 =	simm.s32 @!p1 $0x1082;
	[sflag:s4] =	ssyncset.s32 $0xFFFFF086  }
0x25: {  	[simem:s6], [sflag:s4] =	dma.local [hbm:s3], $0xF7A  }
0x26: {  	[smem:$0x3F9F] =	sst s1;
	(tag) =	ssettag s2;
	_ =	strace s9  }
0x27: {  	s1 =	sld [smem:$0x3FAF]  }
0x28: {  	s2 =	sld [smem:$0x3FB0]  }
0x29: {  	s4 =	sld [smem:$0x3FB2]  }
0x2a: {  	p0 =	seq.s32 s5, $0x0;
	s5 =	sld [smem:$0x3FB3]  }
0x2b: {  	s6 =	sld [smem:$0x3FB4]  }
0x2c: {  	s7 =	sld [smem:$0x3FB5]  }
0x2d: {  	s3 =	simm.s32 $0x108;
	s8 =	sld [smem:$0x3FB6]  }
0x2e: {  	s3 =	simm.s32 @!p0 $0x1082;
	s9 =	sld [smem:$0x3FB7]  }
0x2f: {  	lr =	sadd.s32 s0, s3;
	s0 =	sld [smem:$0x3FAE]  }
0x30: {  	s3 =	sld [smem:$0x3FB1]  }
0x31: {  	[smem:$0x3FBA] =	sst s10  }
0x32: {  	s10 =	sld [smem:$0x3FB8];
	_ =	sdelay $0x3  }
0x33: {  	p0 =	seq.s32 s10, $0x1;
	s10 =	sld [smem:$0x3FBA];
	_ =	sdelay $0x3  }
0x34: {  	[smem:$0x3FBA] =	sst s10  }
0x35: {  	s10 =	sld [smem:$0x3FB9];
	_ =	sdelay $0x3  }
0x36: {  	p1 =	seq.s32 s10, $0x1;
	s10 =	sld [smem:$0x3FBA];
	_ =	sdelay $0x3  }
0x37: {  	[smem:$0x3FBA] =	sst s10  }
0x38: {  	s10 =	sld [smem:$0x3FBB]  }
0x39: {  	_ = 	snop;
	(pc) =	sbr.ind lr, $3  }
0x3a: {  	_ = 	snop  }
0x3b: {  	_ = 	snop  }
0x3c: {  	p2 =	seq.s32 s10, $0x1;
	s10 =	sld [smem:$0x3FBA]  }
0x3d: {  	_ =	shalt  }
0x3e: {  	_ =	shalt  }
0x3f: {  	_ =	shalt  }
0x40: {  	_ =	shalt  }
0x41: {  	_ =	shalt  }
0x42: {  	_ =	shalt  }
0x43: {  	_ =	shalt  }
0x44: {  	_ =	shalt  }
0x45: {  	_ =	shalt  }
0x46: {  	_ =	shalt  }
0x47: {  	_ =	shalt  }
0x48: {  	_ =	shalt  }
0x49: {  	_ =	shalt  }
0x4a: {  	_ =	shalt  }
0x4b: {  	_ =	shalt  }
0x4c: {  	_ =	shalt  }
0x4d: {  	_ =	shalt  }
0x4e: {  	_ =	shalt  }
0x4f: {  	_ =	shalt  }
0x50: {  	_ =	shalt  }
0x51: {  	_ =	shalt  }
0x52: {  	_ =	shalt  }
0x53: {  	_ =	shalt  }
0x54: {  	_ =	shalt  }
0x55: {  	_ =	shalt  }
0x56: {  	_ =	shalt  }
0x57: {  	_ =	shalt  }
0x58: {  	_ =	shalt  }
0x59: {  	_ =	shalt  }
0x5a: {  	_ =	shalt  }
0x5b: {  	_ =	shalt  }
0x5c: {  	_ =	shalt  }
0x5d: {  	_ =	shalt  }
0x5e: {  	_ =	shalt  }
0x5f: {  	_ =	shalt  }
0x60: {  	_ =	shalt  }
0x61: {  	_ =	shalt  }
0x62: {  	_ =	shalt  }
0x63: {  	_ =	shalt  }
0x64: {  	_ =	shalt  }
0x65: {  	_ =	shalt  }
0x66: {  	_ =	shalt  }
0x67: {  	_ =	shalt  }
0x68: {  	_ =	shalt  }
0x69: {  	_ =	shalt  }
0x6a: {  	_ =	shalt  }
0x6b: {  	_ =	shalt  }
0x6c: {  	_ =	shalt  }
0x6d: {  	_ =	shalt  }
0x6e: {  	_ =	shalt  }
0x6f: {  	_ =	shalt  }
0x70: {  	_ =	shalt  }
0x71: {  	_ =	shalt  }
0x72: {  	_ =	shalt  }
0x73: {  	_ =	shalt  }
0x74: {  	_ =	shalt  }
0x75: {  	_ =	shalt  }
0x76: {  	_ =	shalt  }
0x77: {  	_ =	shalt  }
0x78: {  	_ =	shalt  }
0x79: {  	_ =	shalt  }
0x7a: {  	_ =	shalt  }
0x7b: {  	_ =	shalt  }
0x7c: {  	_ =	shalt  }
0x7d: {  	_ =	shalt  }
0x7e: {  	_ =	shalt  }
0x7f: {  	_ =	shalt  }
0x80: {  	_ =	shalt  }
0x81: {  	_ =	shalt  }
0x82: {  	_ =	shalt  }
0x83: {  	_ =	shalt  }
0x84: {  	_ =	shalt  }
0x85: {  	_ =	shalt  }
0x86: {  	_ =	shalt  }
0x87: {  	_ =	shalt  }
.Lfunc_end0:
.L_simem_size_0:
called_computation.2_lowered:
.L_overlay_start_0:
0x88: {  	s2 =	sld [smem:$0x3FD9]  }
0x89: {  	s3 =	sld [smem:$0x3FFE];
	_ =	sdelay $0x1  }
0x8a: {  	s1 =	srdreg.scid  }
0x8b: {  	s0 =	sand.u32 $0x1, s1  }
0x8c: {  	s17 =	sshll.u32 s0, $0xA;
	s2 =	sadd.s32 s3, s2  }
0x8d: {  	s2 =	sadd.s32 s2, s17  }
0x8e: {  	[smem:$0x3FC6] =	sst s2  }
0x8f: {  	_ = 	snop  }
0x90: {  	s2 =	sld [smem:$0x3FD0];
	(tm) =	ssettm $0x1  }
0x91: {  	s18 =	sld [smem:$0x3FFB];
	_ =	sdelay $0x3  }
0x92: {  	_ =	strace s18  }
0x93: {  	s3 =	sld [smem:$0x3FFC];
	_ =	sdelay $0x3  }
0x94: {  	_ =	strace s3  }
0x95: {  	s3 =	sld [smem:$0x3FFD];
	_ =	sdelay $0x3  }
0x96: {  	_ =	strace s3  }
0x97: {  	_ =	strace $0x8FFFFFFF  }
0x98: {  	s19 =	sld [smem:$0x3FDB];
	_ =	sdelay $0x1  }
0x99: {  	s4 =	simm.s32 $_scs_section_size  }
0x9a: {  	s5 =	simm.s32 $_size__tile_overlayer_lowered;
	s6 =	simm.s32 $_tile_overlayer_lowered  }
0x9b: {  	s22 =	simm.s32 $0x1BFF;
	s21 =	sshll.u32 s6, $0x1;
	s3 =	sadd.s32 s4, s19  }
0x9c: {  	s7 =	simm.s32 $0x0;
	s20 =	sshll.u32 s5, $0x1;
	s5 =	sadd.s32 s21, s3  }
0x9d: {  	[timem:s7], [sflag:s22] =	dma.local [hbm:s5], s20  }
0x9e: {  	_ =	swait.ge [sflag:s22], s20  }
0x9f: {  	s4 =	ssub.s32 $0x0, s20;
	[sflag:s22] =	ssyncset.done $0x0  }
0xa0: {  	[sflag:s22] =	ssyncadd.s32 s4;
	_ =	sdelay $0x1  }
0xa1: {  	s23 =	simm.s32 $0x1B8B  }
0xa2: {  	_ =	swait.ge [sflag:s23], $0x1  }
0xa3: {  	[sflag:s23] =	ssyncset.done $0x0  }
0xa4: {  	s25 =	simm.s32 $0x1B8E;
	s24 =	sld [smem:$0x3FFE];
	[sflag:s23] =	ssyncadd.s32 $0xFFFFFFFF  }
0xa5: {  	s26 =	simm.s32 $execute0_lowered;
	[smem:$0x3FD2] =	sst s25  }
0xa6: {  	s5 =	sshll.u32 s26, $0x1;
	_ =	strace $0x80000046;
	[dreg:$0x1] =	wrdreg $0xFFFFFFFF  }
0xa7: {  	s28 =	simm.s32 $_size_execute0_lowered;
	s3 =	sadd.s32 s3, s5;
	[dreg:$0x0] =	wrdreg $0x0  }
0xa8: {  	s5 =	sshll.u32 s28, $0x1;
	[dreg:$0x2] =	wrdreg s3  }
0xa9: {  	[dreg:$0x3] =	wrdreg s5  }
0xaa: {  	[dreg:$0x4] =	wrdreg $0xC0  }
0xab: {  	_ =	task [dreg:s7], $0x5FFFF  }
0xac: {  	[dreg:$0x1] =	wrdreg $0xFFFFFFFF  }
0xad: {  	[dreg:$0x0] =	wrdreg $0x60  }
0xae: {  	[dreg:$0x2] =	wrdreg s24  }
0xaf: {  	[dreg:$0x3] =	wrdreg s2  }
0xb0: {  	[dreg:$0x4] =	wrdreg $0x9  }
0xb1: {  	_ =	task.clear_ibuf [dreg:s7], $0x5FFFF;
	_ =	strace $0x90000046  }
0xb2: {  	s29 =	simm.s32 $0x9;
	_ =	strace $0x80000048  }
0xb3: {  	_ =	swait.ge [sflag:s29], $0x1  }
0xb4: {  	[sflag:s29] =	ssyncadd.s32 $0xFFFFFFFF  }
0xb5: {  	_ =	strace $0x90000048  }
0xb6: {  	_ =	sfence  }
0xb7: {  	s30 =	sld [smem:$0x0];
	_ =	sdelay $0x2  }
0xb8: {  	s31 =	sshll.u32 s1, $0xD;
	s1 =	sshrl.u32 s1, $0x2  }
0xb9: {  	s3 =	sand.u32 $0x4000, s31;
	s1 =	sadd.s32 s1, s30  }
0xba: {  	s0 =	sor.u32 s3, s0;
	s1 =	sshll.u32 s1, $0x11  }
0xbb: {  	s0 =	sor.u32 s1, s0  }
0xbc: {  	s0 =	sadd.s32 $0x8F2B, s0  }
0xbd: {  	[sflag:s0] =	ssyncadd.remote.s32 $0x1  }
0xbe: {  	_ =	sfence.sel $0xFFFF  }
0xbf: {  	[dreg:$0x0] =	wrdreg $0xFFFFFFFF;
	(pc) =	sbr.abs _section_cstart, $3  }
0xc0: {  	[dreg:$0x1] =	wrdreg $0xFFFFFFFF  }
0xc1: {  	_ =	task.clear_ibuf [dreg:s7], $0x2FFFF;
	_ =	strace $0x9FFFFFFF  }
0xc2: {  	(tm) =	ssettm $0x7FFFFFFF  }
0xc3: {  	_ =	shalt  }
tec
execute0_lowered:
.L_overlay_start_1:
0x0: {  	(tag) =	ssettag $0x1  }
0x1: {  	s0 =	srdreg.scid  }
0x2: {  	s10 =	stileid.u32;
	s1 =	rddreg [dreg:$0x0]  }
0x3: {  	s4 =	rddreg [dreg:$0x1];
	s5 =	smul.u32 $0xC800, s10  }
0x4: {  	s28 =	simm.s32 $0x10400;
	s29 =	simm.s32 $0x2;
	s17 =	smul.u32 $0x190000, s10  }
0x5: {  	s30 =	simm.s32 $0x12400;
	s0 =	sand.u32 $0x1, s0;
	s23 =	smul.u32 $0x32000, s10  }
0x6: {  	s31 =	simm.s32 $0x3;
	s2 =	sshll.u32 s10, $0x1;
	s7 =	smul.u32 $0x6400, s0  }
0x7: {  	s3 =	sor.u32 s0, s2;
	s2 =	simm.s32 $0x0;
	s19 =	smul.u32 $0xC8000, s0  }
0x8: {  	s6 =	ssub.s32 $0x2, s0;
	s3 =	smul.u32 $0x6400, s3;
	[smem:$0x7FF] =	sst s2  }
0x9: {  	s0 =	smul.u32 $0x19000, s0;
	s9 =	sshrl.u32 s6, $0x1;
	_ =	strace $0x80000047  }
0xa: {  	s15 =	ssub.s32 s6, s9;
	s5 =	sadd.s32 s7, s5;
	s3 =	sshrl.u32 s3, $0x3  }
0xb: {  	s5 =	sshll.u32 s5, $0x2;
	s8 =	sadd.s32 s3, s1;
	s3 =	sadd.s32 $0xF43200, s1  }
0xc: {  	s1 =	smax.u32 s15, $0x1;
	s18 =	sadd.s32 s5, s4;
	s5 =	sadd.s32 s19, s17  }
0xd: {  	s17 =	simm.s32 $0x100;
	s19 =	simm.s32 $0xA;
	s16 =	sadd.s32 $0xE00, s8  }
0xe: {  	[dreg:$0x4] =	wrdreg s1;
	s20 =	sadd.s32 $0x1000, s18;
	s21 =	sadd.s32 $0xC00, s18  }
0xf: {  	s22 =	sadd.s32 $0x800, s18;
	s1 =	sadd.s32 $0x400, s18;
	[dreg:$0x3] =	wrdreg s16  }
0x10: {  	s6 =	sadd.s32 $0x12000, s5;
	s24 =	sadd.s32 $0x10000, s5;
	[dreg:$0x5] =	wrdreg s20  }
0x11: {  	s25 =	sadd.s32 $0xE000, s5;
	s26 =	sadd.s32 $0xC000, s5;
	[dreg:$0x6] =	wrdreg s21  }
0x12: {  	s5 =	sadd.s32 $0xA000, s5;
	s18 =	simm.s32 $0x9;
	[dreg:$0x7] =	wrdreg s22  }
0x13: {  	s8 =	simm.s32 $0x0;
	[dreg:$0x8] =	wrdreg s1;
	s1 =	sadd.s32 s23, s4  }
0x14: {  	s6 =	sshrl.u32 s6, $0x3;
	s12 =	sshrl.u32 s24, $0x3;
	s5 =	sshrl.u32 s5, $0x3  }
0x15: {  	s20 =	simm.s32 $0x16400;
	s22 =	simm.s32 $0x5;
	s24 =	simm.s32 $0x18400  }
0x16: {  	s16 =	simm.s32 $0x8;
	s21 =	simm.s32 $0xF;
	s0 =	sadd.s32 s0, s1  }
.Ltmp0:
0x17: {  	s11 =	sadd.s32 s6, s4;
	s12 =	sadd.s32 s12, s4;
	(pc) =	sbr.rel .LBB2_1-.Ltmp0, $4  }
0x18: {  	s1 =	sshrl.u32 s26, $0x3;
	s15 =	sadd.s32 s5, s4;
	s26 =	simm.s32 $0x1  }
0x19: {  	s5 =	simm.s32 $0x7;
	[dreg:$0x9] =	wrdreg s0;
	s0 =	sshrl.u32 s25, $0x3  }
0x1a: {  	s14 =	sadd.s32 s1, s4;
	s25 =	simm.s32 $0xE400;
	s1 =	simm.s32 $0x14400  }
0x1b: {  	s13 =	sadd.s32 s0, s4;
	s0 =	simm.s32 $0x4;
	s4 =	simm.s32 $0x6  }
.LBB2_4:
0x1c: {  	s6 =	simm.s32 $0xB  }
0x1d: {  	_ =	swait.ge [sflag:s6], $0x2000  }
0x1e: {  	[sflag:s6] =	ssyncset.done $0x0  }
0x1f: {  	s9 =	simm.s32 $0xC;
	[sflag:s6] =	ssyncadd.s32 $0xFFFFE000  }
0x20: {  	_ =	swait.ge [sflag:s9], $0x2000  }
0x21: {  	[sflag:s9] =	ssyncset.done $0x0  }
0x22: {  	s10 =	simm.s32 $0xD;
	[sflag:s9] =	ssyncadd.s32 $0xFFFFE000  }
0x23: {  	_ =	swait.ge [sflag:s10], $0x2000  }
0x24: {  	[sflag:s10] =	ssyncset.done $0x0  }
0x25: {  	s23 =	simm.s32 $0xE;
	[sflag:s10] =	ssyncadd.s32 $0xFFFFE000  }
0x26: {  	_ =	swait.ge [sflag:s23], $0x2000  }
0x27: {  	[sflag:s23] =	ssyncset.done $0x0  }
0x28: {  	[sflag:s23] =	ssyncadd.s32 $0xFFFFE000  }
0x29: {  	_ =	swait.ge [sflag:s21], $0x2000  }
0x2a: {  	[sflag:s21] =	ssyncset.done $0x0  }
0x2b: {  	s7 =	simm.s32 $0x10;
	[sflag:s21] =	ssyncadd.s32 $0xFFFFE000  }
0x2c: {  	_ =	swait.ge [sflag:s7], $0x2000  }
0x2d: {  	[sflag:s7] =	ssyncset.done $0x0  }
0x2e: {  	s8 =	simm.s32 $0x11;
	[sflag:s7] =	ssyncadd.s32 $0xFFFFE000  }
0x2f: {  	_ =	swait.ge [sflag:s8], $0x2000  }
0x30: {  	[sflag:s8] =	ssyncset.done $0x0  }
0x31: {  	s9 =	simm.s32 $0x12;
	[sflag:s8] =	ssyncadd.s32 $0xFFFFE000  }
0x32: {  	_ =	swait.ge [sflag:s9], $0x2000  }
0x33: {  	[sflag:s9] =	ssyncset.done $0x0  }
0x34: {  	s10 =	simm.s32 $0x13;
	[sflag:s9] =	ssyncadd.s32 $0xFFFFE000  }
0x35: {  	_ =	swait.ge [sflag:s10], $0x2000  }
0x36: {  	[sflag:s10] =	ssyncset.done $0x0  }
0x37: {  	s7 =	simm.s32 $0x14;
	[sflag:s10] =	ssyncadd.s32 $0xFFFFE000  }
0x38: {  	_ =	swait.ge [sflag:s7], $0x2000  }
0x39: {  	s8 =	rddreg [dreg:$0xa]  }
0x3a: {  	s23 =	rddreg [dreg:$0x4];
	s8 =	sadd.s32 $0x1, s8  }
0x3b: {  	p0 =	sne.s32 s8, s23  }
.Ltmp1:
0x3c: {  	_ = 	snop;
	(pc) =	sbr.rel @!p0 .LBB2_5-.Ltmp1, $3  }
0x3d: {  	_ =	sdelay $0x1  }
0x3e: {  	[sflag:s7] =	ssyncset.done $0x0  }
0x3f: {  	[sflag:s7] =	ssyncadd.s32 $0xFFFFE000  }
.LBB2_1:
0x40: {  	[dreg:$0xa] =	wrdreg s8  }
0x41: {  	s6 =	rddreg [dreg:$0x3];
	s10 =	simm.s32 $0x15  }
0x42: {  	[tilespmem:s2], [sflag:$0x15] =	stream.linear.gather [hbm4b:s6+s2], $0x6400, $0x38;
	[tilespmem:$0x1A400] =	vst v63  }
0x43: {  	_ =	swait.ge [sflag:s10], $0x6400  }
0x44: {  	[sflag:s10] =	ssyncset.done $0x0  }
0x45: {  	s23 =	simm.s32 $0x6400;
	[sflag:s10] =	ssyncadd.s32 $0xFFFF9C00  }
0x46: {  	[tilespmem:s23], [sflag:$0x1] =	stream.indirect.gather [hbm4b:s3+s17], $0x20, s2, s17, $0xb8;
	[tilespmem:$0x1A400] =	vst v63  }
0x47: {  	s7 =	simm.s32 $0x8400  }
0x48: {  	[tilespmem:s7], [sflag:$0x2] =	stream.indirect.gather [hbm4b:s3+s17], $0x20, s17, s17, $0xb8;
	[tilespmem:$0x1A400] =	vst v63  }
0x49: {  	s8 =	simm.s32 $0x200;
	s7 =	simm.s32 $0xA400  }
0x4a: {  	[tilespmem:s7], [sflag:$0x3] =	stream.indirect.gather [hbm4b:s3+s17], $0x20, s8, s17, $0xb8;
	[tilespmem:$0x1A400] =	vst v63  }
0x4b: {  	s9 =	simm.s32 $0x300;
	s10 =	simm.s32 $0xC400  }
0x4c: {  	[tilespmem:s10], [sflag:$0x4] =	stream.indirect.gather [hbm4b:s3+s17], $0x20, s9, s17, $0xb8;
	[tilespmem:$0x1A400] =	vst v63  }
0x4d: {  	s23 =	simm.s32 $0x400  }
0x4e: {  	[tilespmem:s25], [sflag:$0x5] =	stream.indirect.gather [hbm4b:s3+s17], $0x20, s23, s17, $0xb8;
	[tilespmem:$0x1A400] =	vst v63  }
0x4f: {  	s23 =	simm.s32 $0x0  }
.LBB2_2:
0x50: {  	_ =	swait.ge [sflag:s26], $0x2000  }
0x51: {  	s7 =	simm.s32 $0x6400;
	[sflag:s26] =	ssyncset.done $0x0;
	s6 =	rddreg [dreg:$0x9]  }
0x52: {  	p0 =	seq.s32 s23, $0x0;
	[sflag:s26] =	ssyncadd.s32 $0xFFFFE000;
	s6 =	sadd.s32 s23, s6  }
0x53: {  	[hbm4b:s6+s2] =	stream.linear.scatter [tilespmem:s7], [sflag:$0xB], $0x2000, $0x38;
	[tilespmem:$0x1A400] =	vst v63  }
0x54: {  	s7 =	simm.s32 @!p0 $0x10  }
0x55: {  	_ =	swait.ge @!p0 [sflag:s7], $0x2000  }
0x56: {  	s6 =	sshra.s32 s23, $0x2;
	[sflag:s7] =	ssyncset.done @!p0 $0x0  }
0x57: {  	s9 =	sadd.s32 $0x500, s6;
	[sflag:s7] =	ssyncadd.s32 @!p0 $0xFFFFE000  }
0x58: {  	[tilespmem:s28], [sflag:$0x6] =	stream.indirect.gather [hbm4b:s3+s17], $0x20, s9, s17, $0xb8;
	[tilespmem:$0x1A400] =	vst v63  }
0x59: {  	_ =	swait.ge [sflag:s29], $0x2000  }
0x5a: {  	[sflag:s29] =	ssyncset.done $0x0;
	s10 =	rddreg [dreg:$0x8]  }
0x5b: {  	s8 =	simm.s32 $0x8400;
	[sflag:s29] =	ssyncadd.s32 $0xFFFFE000;
	s7 =	sadd.s32 s23, s10  }
0x5c: {  	[hbm4b:s7+s2] =	stream.linear.scatter [tilespmem:s8], [sflag:$0xC], $0x2000, $0x38;
	[tilespmem:$0x1A400] =	vst v63  }
0x5d: {  	s7 =	simm.s32 @!p0 $0x11  }
0x5e: {  	_ =	swait.ge @!p0 [sflag:s7], $0x2000  }
0x5f: {  	[sflag:s7] =	ssyncset.done @!p0 $0x0  }
0x60: {  	s8 =	sadd.s32 $0x600, s6;
	[sflag:s7] =	ssyncadd.s32 @!p0 $0xFFFFE000  }
0x61: {  	[tilespmem:s30], [sflag:$0x7] =	stream.indirect.gather [hbm4b:s3+s17], $0x20, s8, s17, $0xb8;
	[tilespmem:$0x1A400] =	vst v63  }
0x62: {  	_ =	swait.ge [sflag:s31], $0x2000  }
0x63: {  	[sflag:s31] =	ssyncset.done $0x0;
	s9 =	rddreg [dreg:$0x7]  }
0x64: {  	s10 =	simm.s32 $0xA400;
	[sflag:s31] =	ssyncadd.s32 $0xFFFFE000;
	s7 =	sadd.s32 s23, s9  }
0x65: {  	[hbm4b:s7+s2] =	stream.linear.scatter [tilespmem:s10], [sflag:$0xD], $0x2000, $0x38;
	[tilespmem:$0x1A400] =	vst v63  }
0x66: {  	s7 =	simm.s32 @!p0 $0x12  }
0x67: {  	_ =	swait.ge @!p0 [sflag:s7], $0x2000  }
0x68: {  	[sflag:s7] =	ssyncset.done @!p0 $0x0  }
0x69: {  	s8 =	sadd.s32 $0x700, s6;
	[sflag:s7] =	ssyncadd.s32 @!p0 $0xFFFFE000  }
0x6a: {  	[tilespmem:s1], [sflag:$0x8] =	stream.indirect.gather [hbm4b:s3+s17], $0x20, s8, s17, $0xb8;
	[tilespmem:$0x1A400] =	vst v63  }
0x6b: {  	_ =	swait.ge [sflag:s0], $0x2000  }
0x6c: {  	[sflag:s0] =	ssyncset.done $0x0;
	s9 =	rddreg [dreg:$0x6]  }
0x6d: {  	s10 =	simm.s32 $0xC400;
	[sflag:s0] =	ssyncadd.s32 $0xFFFFE000;
	s7 =	sadd.s32 s23, s9  }
0x6e: {  	[hbm4b:s7+s2] =	stream.linear.scatter [tilespmem:s10], [sflag:$0xE], $0x2000, $0x38;
	[tilespmem:$0x1A400] =	vst v63  }
0x6f: {  	s7 =	simm.s32 @!p0 $0x13  }
0x70: {  	_ =	swait.ge @!p0 [sflag:s7], $0x2000  }
0x71: {  	[sflag:s7] =	ssyncset.done @!p0 $0x0  }
0x72: {  	s9 =	sadd.s32 $0x800, s6;
	[sflag:s7] =	ssyncadd.s32 @!p0 $0xFFFFE000  }
0x73: {  	[tilespmem:s20], [sflag:$0x9] =	stream.indirect.gather [hbm4b:s3+s17], $0x20, s9, s17, $0xb8;
	[tilespmem:$0x1A400] =	vst v63  }
0x74: {  	_ =	swait.ge [sflag:s22], $0x2000  }
0x75: {  	[sflag:s22] =	ssyncset.done $0x0;
	s10 =	rddreg [dreg:$0x5]  }
0x76: {  	[sflag:s22] =	ssyncadd.s32 $0xFFFFE000;
	s7 =	sadd.s32 s23, s10  }
0x77: {  	[hbm4b:s7+s2] =	stream.linear.scatter [tilespmem:s25], [sflag:$0xF], $0x2000, $0x38;
	[tilespmem:$0x1A400] =	vst v63  }
0x78: {  	s7 =	simm.s32 @!p0 $0x14  }
0x79: {  	_ =	swait.ge @!p0 [sflag:s7], $0x2000  }
0x7a: {  	[sflag:s7] =	ssyncset.done @!p0 $0x0  }
0x7b: {  	s8 =	sadd.s32 $0x900, s6;
	[sflag:s7] =	ssyncadd.s32 @!p0 $0xFFFFE000  }
0x7c: {  	[tilespmem:s24], [sflag:$0xA] =	stream.indirect.gather [hbm4b:s3+s17], $0x20, s8, s17, $0xb8;
	[tilespmem:$0x1A400] =	vst v63  }
0x7d: {  	_ =	swait.ge [sflag:s4], $0x2000  }
0x7e: {  	p0 =	seq.s32 s23, $0x16800;
	[sflag:s4] =	ssyncset.done $0x0  }
0x7f: {  	s9 =	sadd.s32 s23, s15;
	s7 =	simm.s32 @!p0 $0xB;
	[sflag:s4] =	ssyncadd.s32 $0xFFFFE000  }
0x80: {  	[hbm4b:s9+s2] =	stream.linear.scatter [tilespmem:s28], [sflag:$0x10], $0x2000, $0x38;
	[tilespmem:$0x1A400] =	vst v63  }
0x81: {  	_ =	swait.ge @!p0 [sflag:s7], $0x2000  }
0x82: {  	[sflag:s7] =	ssyncset.done @!p0 $0x0  }
0x83: {  	[sflag:s7] =	ssyncadd.s32 @!p0 $0xFFFFE000;
	s7 =	sshra.s32 @!p0 s23, $0x2  }
0x84: {  	s10 =	simm.s32 @!p0 $0x6400;
	s9 =	simm.s32 @!p0 $0x100;
	s8 =	sadd.s32 @!p0 $0xA00, s7  }
0x85: {  	[tilespmem:s10], [sflag:$0x1] =	stream.indirect.gather @!p0 [hbm4b:s3+s9], $0x20, s8, s9, $0xb8;
	[tilespmem:$0x1A400] =	vst v63  }
0x86: {  	_ =	swait.ge [sflag:s5], $0x2000  }
0x87: {  	[sflag:s5] =	ssyncset.done $0x0  }
0x88: {  	s10 =	sadd.s32 s23, s14;
	s8 =	simm.s32 @!p0 $0xC;
	[sflag:s5] =	ssyncadd.s32 $0xFFFFE000  }
0x89: {  	[hbm4b:s10+s2] =	stream.linear.scatter [tilespmem:s30], [sflag:$0x11], $0x2000, $0x38;
	[tilespmem:$0x1A400] =	vst v63  }
0x8a: {  	_ =	swait.ge @!p0 [sflag:s8], $0x2000  }
0x8b: {  	[sflag:s8] =	ssyncset.done @!p0 $0x0  }
0x8c: {  	s10 =	simm.s32 @!p0 $0x8400;
	[sflag:s8] =	ssyncadd.s32 @!p0 $0xFFFFE000;
	s8 =	sadd.s32 @!p0 $0xB00, s7  }
0x8d: {  	[tilespmem:s10], [sflag:$0x2] =	stream.indirect.gather @!p0 [hbm4b:s3+s9], $0x20, s8, s9, $0xb8;
	[tilespmem:$0x1A400] =	vst v63  }
0x8e: {  	_ =	swait.ge [sflag:s16], $0x2000  }
0x8f: {  	[sflag:s16] =	ssyncset.done $0x0  }
0x90: {  	s10 =	sadd.s32 s23, s13;
	s8 =	simm.s32 @!p0 $0xD;
	[sflag:s16] =	ssyncadd.s32 $0xFFFFE000  }
0x91: {  	[hbm4b:s10+s2] =	stream.linear.scatter [tilespmem:s1], [sflag:$0x12], $0x2000, $0x38;
	[tilespmem:$0x1A400] =	vst v63  }
0x92: {  	_ =	swait.ge @!p0 [sflag:s8], $0x2000  }
0x93: {  	[sflag:s8] =	ssyncset.done @!p0 $0x0  }
0x94: {  	s10 =	simm.s32 @!p0 $0xA400;
	[sflag:s8] =	ssyncadd.s32 @!p0 $0xFFFFE000;
	s8 =	sadd.s32 @!p0 $0xC00, s7  }
0x95: {  	[tilespmem:s10], [sflag:$0x3] =	stream.indirect.gather @!p0 [hbm4b:s3+s9], $0x20, s8, s9, $0xb8;
	[tilespmem:$0x1A400] =	vst v63  }
0x96: {  	_ =	swait.ge [sflag:s18], $0x2000  }
0x97: {  	[sflag:s18] =	ssyncset.done $0x0  }
0x98: {  	s10 =	sadd.s32 s23, s12;
	s8 =	simm.s32 @!p0 $0xE;
	[sflag:s18] =	ssyncadd.s32 $0xFFFFE000  }
0x99: {  	[hbm4b:s10+s2] =	stream.linear.scatter [tilespmem:s20], [sflag:$0x13], $0x2000, $0x38;
	[tilespmem:$0x1A400] =	vst v63  }
0x9a: {  	_ =	swait.ge @!p0 [sflag:s8], $0x2000  }
0x9b: {  	[sflag:s8] =	ssyncset.done @!p0 $0x0  }
0x9c: {  	s7 =	sadd.s32 @!p0 $0xD00, s7;
	[sflag:s8] =	ssyncadd.s32 @!p0 $0xFFFFE000;
	s8 =	simm.s32 @!p0 $0xC400  }
0x9d: {  	[tilespmem:s8], [sflag:$0x4] =	stream.indirect.gather @!p0 [hbm4b:s3+s9], $0x20, s7, s9, $0xb8;
	[tilespmem:$0x1A400] =	vst v63  }
.Ltmp2:
0x9e: {  	_ = 	snop;
	(pc) =	sbr.rel @p0 .LBB2_4-.Ltmp2, $4  }
0x9f: {  	_ =	swait.ge [sflag:s19], $0x2000  }
0xa0: {  	[sflag:s19] =	ssyncset.done $0x0  }
0xa1: {  	s10 =	sadd.s32 s23, s11;
	[sflag:s19] =	ssyncadd.s32 $0xFFFFE000  }
0xa2: {  	[hbm4b:s10+s2] =	stream.linear.scatter [tilespmem:s24], [sflag:$0x14], $0x2000, $0x38;
	[tilespmem:$0x1A400] =	vst v63  }
.Ltmp3:
0xa3: {  	(pc) =	sbr.rel .LBB2_2-.Ltmp3, $4  }
0xa4: {  	_ =	swait.ge [sflag:s21], $0x2000  }
0xa5: {  	[sflag:s21] =	ssyncset.done $0x0  }
0xa6: {  	s6 =	sadd.s32 $0xE00, s6;
	s23 =	sadd.s32 $0x2800, s23;
	[sflag:s21] =	ssyncadd.s32 $0xFFFFE000  }
0xa7: {  	[tilespmem:s25], [sflag:$0x5] =	stream.indirect.gather [hbm4b:s3+s17], $0x20, s6, s17, $0xb8;
	[tilespmem:$0x1A400] =	vst v63  }
.LBB2_5:
0xa8: {  	_ =	sfence.sel $0x180000  }
0xa9: {  	[bflag:$0x0] =	sbarrier.arrive $0xFFFF  }
0xaa: {  	_ =	strace $0x90000047  }
0xab: {  	s0 =	stileid.u32;
	[bflag:$0x2] =	sbarrier.arrive $0xFFFF  }
0xac: {  	p0 =	sne.s32 s0, $0x0;
	s0 =	rddreg [dreg:$0x2]  }
0xad: {  	s0 =	sadd.s32 @!p0 $0x100000, s0  }
0xae: {  	[sflag:s0] =	ssyncadd.tile.s32 @!p0 $0x1;
	_ =	shalt  }
.Lfunc_end2:
_tile_overlayer_lowered:
.L_overlay_start_2:
0xaf: {  	(tag) =	ssettag $0x2  }
0xb0: {  	s0 =	rddreg [dreg:$0x0];
	s2 =	stileid.u32  }
0xb1: {  	s1 =	rddreg [dreg:$0x1];
	p0 =	sne.s32 s2, $0x0  }
0xb2: {  	s3 =	rddreg [dreg:$0x2];
	[bflag:$0x3] =	sbarrier.arrive $0xFFFF;
	s2 =	simm.s32 @!p0 $0x1C15  }
0xb3: {  	[timem:s3], [sflag:s2] =	dma.local @!p0 [hbm:s0], s1  }
0xb4: {  	s0 =	simm.s32 @!p0 $0x15  }
0xb5: {  	_ =	swait.ge @!p0 [sflag:s0], s1  }
0xb6: {  	s1 =	ssub.s32 @!p0 $0x0, s1;
	[sflag:s0] =	ssyncset.done @!p0 $0x0  }
0xb7: {  	[sflag:s0] =	ssyncadd.s32 @!p0 s1  }
0xb8: {  	[bflag:$0x3] =	sbarrier.arrive $0xFFFF  }
0xb9: {  	_ =	shalt  }

// kernel: sparse-core-data-format-call.1.cloned.1.call-start
scs
called_computation.1_lowered:
.L_overlay_start_0:
0x0: {  	s2 =	sld [smem:$0x3FD9]  }
0x1: {  	s3 =	sld [smem:$0x3FFE];
	_ =	sdelay $0x1  }
0x2: {  	s1 =	srdreg.scid  }
0x3: {  	s0 =	sand.u32 $0x1, s1  }
0x4: {  	s18 =	sshll.u32 s0, $0xA;
	s2 =	sadd.s32 s3, s2  }
0x5: {  	s2 =	sadd.s32 s2, s18  }
0x6: {  	[smem:$0x3FC6] =	sst s2  }
0x7: {  	_ = 	snop  }
0x8: {  	s2 =	sld [smem:$0x3FD0];
	(tm) =	ssettm $0x1  }
0x9: {  	s19 =	sld [smem:$0x3FFB];
	_ =	sdelay $0x3  }
0xa: {  	_ =	strace s19  }
0xb: {  	s3 =	sld [smem:$0x3FFC];
	_ =	sdelay $0x3  }
0xc: {  	_ =	strace s3  }
0xd: {  	s3 =	sld [smem:$0x3FFD];
	_ =	sdelay $0x3  }
0xe: {  	_ =	strace s3  }
0xf: {  	_ =	strace $0x8FFFFFFF  }
0x10: {  	s20 =	sld [smem:$0x3FDB];
	_ =	sdelay $0x1  }
0x11: {  	s4 =	simm.s32 $_scs_section_size  }
0x12: {  	s5 =	simm.s32 $_size__tile_overlayer_lowered;
	s6 =	simm.s32 $_tile_overlayer_lowered  }
0x13: {  	s23 =	simm.s32 $0x1BFF;
	s22 =	sshll.u32 s6, $0x1;
	s3 =	sadd.s32 s4, s20  }
0x14: {  	s7 =	simm.s32 $0x0;
	s21 =	sshll.u32 s5, $0x1;
	s5 =	sadd.s32 s22, s3  }
0x15: {  	[timem:s7], [sflag:s23] =	dma.local [hbm:s5], s21  }
0x16: {  	_ =	swait.ge [sflag:s23], s21  }
0x17: {  	s4 =	ssub.s32 $0x0, s21;
	[sflag:s23] =	ssyncset.done $0x0  }
0x18: {  	[sflag:s23] =	ssyncadd.s32 s4;
	_ =	sdelay $0x1  }
0x19: {  	s24 =	simm.s32 $0x1B8B  }
0x1a: {  	_ =	swait.ge [sflag:s24], $0x1  }
0x1b: {  	[sflag:s24] =	ssyncset.done $0x0  }
0x1c: {  	s26 =	simm.s32 $0x1B8E;
	s25 =	sld [smem:$0x3FFE];
	[sflag:s24] =	ssyncadd.s32 $0xFFFFFFFF  }
0x1d: {  	s27 =	simm.s32 $execute0_lowered;
	[smem:$0x3FD2] =	sst s26  }
0x1e: {  	s5 =	sshll.u32 s27, $0x1;
	_ =	strace $0x80000049;
	[dreg:$0x1] =	wrdreg $0xFFFFFFFF  }
0x1f: {  	s28 =	simm.s32 $_size_execute0_lowered;
	s3 =	sadd.s32 s3, s5;
	[dreg:$0x0] =	wrdreg $0x0  }
0x20: {  	s5 =	sshll.u32 s28, $0x1;
	[dreg:$0x2] =	wrdreg s3  }
0x21: {  	[dreg:$0x3] =	wrdreg s5  }
0x22: {  	[dreg:$0x4] =	wrdreg $0xC0  }
0x23: {  	_ =	task [dreg:s7], $0x5FFFF  }
0x24: {  	[dreg:$0x1] =	wrdreg $0xFFFFFFFF  }
0x25: {  	[dreg:$0x0] =	wrdreg $0x60  }
0x26: {  	[dreg:$0x2] =	wrdreg s25  }
0x27: {  	[dreg:$0x3] =	wrdreg s2  }
0x28: {  	[dreg:$0x4] =	wrdreg $0x9  }
0x29: {  	_ =	task.clear_ibuf [dreg:s7], $0x5FFFF;
	_ =	strace $0x90000049  }
0x2a: {  	s29 =	simm.s32 $0x9;
	_ =	strace $0x8000004B  }
0x2b: {  	_ =	swait.ge [sflag:s29], $0x1  }
0x2c: {  	[sflag:s29] =	ssyncadd.s32 $0xFFFFFFFF  }
0x2d: {  	_ =	strace $0x9000004B  }
0x2e: {  	_ =	sfence  }
0x2f: {  	s30 =	sld [smem:$0x0];
	_ =	sdelay $0x2  }
0x30: {  	s31 =	sshll.u32 s1, $0xD;
	s1 =	sshrl.u32 s1, $0x2  }
0x31: {  	s3 =	sand.u32 $0x4000, s31;
	s1 =	sadd.s32 s1, s30  }
0x32: {  	s0 =	sor.u32 s3, s0;
	s1 =	sshll.u32 s1, $0x11  }
0x33: {  	s0 =	sor.u32 s1, s0  }
0x34: {  	s0 =	sadd.s32 $0x8F2B, s0  }
0x35: {  	[sflag:s0] =	ssyncadd.remote.s32 $0x1  }
0x36: {  	_ =	sfence.sel $0xFFFF  }
0x37: {  	[dreg:$0x0] =	wrdreg $0xFFFFFFFF;
	(pc) =	sbr.abs _section_cstart, $3  }
0x38: {  	[dreg:$0x1] =	wrdreg $0xFFFFFFFF  }
0x39: {  	_ =	task.clear_ibuf [dreg:s7], $0x2FFFF;
	_ =	strace $0x9FFFFFFF  }
0x3a: {  	(tm) =	ssettm $0x7FFFFFFF  }
0x3b: {  	_ =	shalt  }
tec
execute0_lowered:
.L_overlay_start_1:
0x0: {  	(tag) =	ssettag $0x1  }
0x1: {  	s0 =	srdreg.scid  }
0x2: {  	s1 =	sshll.u32 s0, $0x4  }
0x3: {  	s4 =	rddreg [dreg:$0x0];
	s0 =	stileid.u32;
	s1 =	sand.u32 $0x10, s1  }
0x4: {  	s2 =	rddreg [dreg:$0x1];
	s7 =	simm.s32 $0x1;
	s1 =	sor.u32 s0, s1  }
0x5: {  	s8 =	simm.s32 $0x2;
	s11 =	simm.s32 $0x0;
	s3 =	sshll.u32 s1, $0x7  }
0x6: {  	s10 =	simm.s32 $0x0;
	s4 =	sadd.s32 $0xE00, s4;
	s6 =	ssub.s32 $0xC8000, s3  }
.Ltmp0:
0x7: {  	s1 =	rddreg [dreg:$0x2];
	s5 =	sand.u32 $0xF80, s6;
	(pc) =	sbr.rel .LBB1_1-.Ltmp0, $4  }
0x8: {  	_ =	strace $0x8000004A;
	s9 =	smov.u32 s3;
	p0 =	sne.s32 s5, $0x0  }
0x9: {  	s6 =	sshrl.u32 s6, $0xC;
	s5 =	simm.s32 $0x1;
	s7 =	simm.s32 @!p0 $0x0  }
0xa: {  	[sflag:s5] =	ssyncpa.u1 $0x0;
	p0 =	por $0x0, $0x0;
	s6 =	sadd.s32 s7, s6  }
0xb: {  	[sflag:s8] =	ssyncpa.u1 $0x0;
	s8 =	simm.s32 $0x640000;
	s7 =	sadd.s32 $0x1, s6  }
.LBB1_4:
0xc: {  	s14 =	sshll.u32 s11, $0x3  }
0xd: {  	s30 =	sand.u32 $0x7F, s11;
	s15 =	sand.u32 $0xFFFFFC00, s14  }
0xe: {  	s11 =	sor.u32 s30, s15  }
0xf: {  	s15 =	smulhi.u32 $0x51EB851F, s11  }
0x10: {  	s14 =	smulhi.u32 $0x51EB851F, s14  }
0x11: {  	s15 =	sshrl.u32 s15, $0x12  }
0x12: {  	s14 =	sshrl.u32 s14, $0x12;
	s15 =	smul.u32 $0xC8000, s15  }
0x13: {  	s14 =	sand.u32 $0x1F, s14  }
0x14: {  	s14 =	smul.u32 $0x19000, s14;
	s11 =	ssub.s32 s11, s15  }
0x15: {  	s15 =	sand.u32 $0x7, s11  }
0x16: {  	s14 =	sadd.s32 s2, s14;
	s11 =	sshrl.u32 s11, $0x3;
	s15 =	sshll.u32 s15, $0x12  }
0x17: {  	[tilespmem:s13+$0x0 ss:$0x81] =	vst.msk $0xffff, v0;
	s11 =	sadd.s32 s11, s14;
	s31 =	sor.u32 $0x400, s15  }
0x18: {  	[hbm4b:s11+s31] =	stream.strided.scatter [tilespmem:s12], [sflag:$0x2], $0x1000, s8, s31, $0x20;
	[tilespmem:$0x4040] =	vst v63  }
.LBB1_5:
0x19: {  	s13 =	sadd.s32 $0x1000, s9  }
0x1a: {  	p2 =	sgt.s32 s13, $0xC7FFF  }
0x1b: {  	s13 =	smov.u32 @p2 s3;
	p2 =	sne.s32 s10, s7  }
.Ltmp1:
0x1c: {  	p1 =	slt.u32 s10, $0x2;
	(pc) =	sbr.rel @!p2 .LBB1_6-.Ltmp1, $4  }
0x1d: {  	s12 =	simm.s32 @!p1 $0x2  }
0x1e: {  	s14 =	sadd.s32 $0x1, s10;
	_ =	swait.ge @!p1 [sflag:s12], $0x1000  }
0x1f: {  	s11 =	smov.u32 s9;
	p0 =	por !p0, !p0;
	[sflag:s12] =	ssyncset.done @!p1 $0x0  }
0x20: {  	s10 =	smov.u32 s14;
	s9 =	smov.u32 s13;
	[sflag:s12] =	ssyncadd.s32 @!p1 $0xFFFFF000  }
.LBB1_1:
0x21: {  	p1 =	sge.u32 s10, s6  }
0x22: {  	s12 =	sand.u32 @!p1 $0x1FFFFFF, s9  }
0x23: {  	s13 =	smulhi.u32 @!p1 $0x147AE15, s12;
	_ =	sdelay $0x1  }
0x24: {  	s13 =	sshrl.u32 @!p1 s13, $0xC  }
0x25: {  	s13 =	smul.u32 @!p1 $0xC8000, s13;
	_ =	sdelay $0x1  }
0x26: {  	s31 =	sadd.s32 $0xFFFFFFFF, s10;
	s14 =	sxor.u32 @!p1 $0xFFFFFFFF, s10;
	s12 =	ssub.s32 @!p1 s12, s13  }
0x27: {  	s15 =	simm.s32 @!p1 $0x80;
	s14 =	sshll.u32 @!p1 s14, $0xC;
	s12 =	sshll.u32 @!p1 s12, $0x4  }
0x28: {  	s13 =	sand.u32 @!p1 $0x1000, s14;
	s14 =	simm.s32 @!p1 $0x20;
	s12 =	sadd.s32 @!p1 s4, s12  }
0x29: {  	[tilespmem:s13], [sflag:$0x1] =	stream.strided.gather @!p1 [hbm4b:s12+s14], $0x1000, s15, s14, $0x38;
	[tilespmem:$0x4040] =	vst v63  }
0x2a: {  	p1 =	sge.u32 s31, s6  }
.Ltmp2:
0x2b: {  	_ = 	snop;
	(pc) =	sbr.rel @p1 .LBB1_5-.Ltmp2, $1  }
0x2c: {  	_ =	sdelay $0x3  }
0x2d: {  	s12 =	simm.s32 $0x1  }
0x2e: {  	_ =	swait.ge [sflag:s5], $0x1000;
	s12 =	simm.s32 @!p0 $0x0  }
0x2f: {  	[sflag:s5] =	ssyncset.done $0x0;
	s13 =	sshll.u32 s12, $0xC  }
0x30: {  	[sflag:s5] =	ssyncadd.s32 $0xFFFFF000;
	s16 =	sor.u32 $0x10, s13  }
0x31: {  	s12 =	smul.u32 $0x4080, s12;
	v1 =	vld [tilespmem:s16+$0x0]  }
0x32: {  	s30 =	sand.u32 $0x1, s10;
	v0 =	vld [tilespmem:s16+$0xFFFFFFF0]  }
0x33: {  	s13 =	smul.u32 $0x4080, s30;
	s12 =	sshrl.u32 s12, $0x2  }
0x34: {  	s14 =	sor.u32 $0x2000, s12  }
0x35: {  	s31 =	sshrl.u32 s13, $0x2;
	s13 =	sadd.s32 $0x0, s14  }
0x36: {  	s15 =	simm.s32 $0x4;
	s16 =	sadd.s32 $0x20, s16;
	s12 =	sor.u32 $0x2000, s31;
	[tilespmem:s13+$0x810 ss:$0x81] =	vst.msk $0xffff, v1  }
.LBB1_3:
0x37: {  	v1 =	vld [tilespmem:s16+$0x0];
	p1 =	sne.s32 s15, $0x1FC;
	[tilespmem:s13+$0x0 ss:$0x81] =	vst.msk $0xffff, v0;
	s13 =	smov.u32 s15;
	s15 =	sadd.s32 $0x4, s15  }
.Ltmp3:
0x38: {  	v0 =	vld [tilespmem:s16+$0xFFFFFFF0];
	(pc) =	sbr.rel @p1 .LBB1_3-.Ltmp3, $4  }
0x39: {  	_ = 	snop  }
0x3a: {  	s13 =	sshra.s32 s13, $0x2  }
0x3b: {  	s13 =	sadd.s32 s13, s14  }
0x3c: {  	s16 =	sadd.s32 $0x20, s16;
	[tilespmem:s13+$0x810 ss:$0x81] =	vst.msk $0xffff, v1  }
.Ltmp4:
0x3d: {  	_ = 	snop;
	(pc) =	sbr.rel .LBB1_4-.Ltmp4, $1  }
0x3e: {  	_ =	sdelay $0x3  }
.LBB1_6:
0x3f: {  	_ =	sfence.sel $0x180000  }
0x40: {  	s2 =	simm.s32 $0x1;
	[bflag:$0x0] =	sbarrier.arrive $0xFFFF  }
0x41: {  	s31 =	simm.s32 $0x2;
	[sflag:s2] =	ssyncpa.u1 $0x1  }
0x42: {  	[sflag:s31] =	ssyncpa.u1 $0x1  }
0x43: {  	p0 =	sne.s32 s0, $0x0;
	_ =	strace $0x9000004A  }
0x44: {  	s0 =	sadd.s32 @!p0 $0x100000, s1;
	[bflag:$0x2] =	sbarrier.arrive $0xFFFF  }
0x45: {  	[sflag:s0] =	ssyncadd.tile.s32 @!p0 $0x1;
	_ =	shalt  }
.Lfunc_end1:
_tile_overlayer_lowered:
.L_overlay_start_2:
0x46: {  	(tag) =	ssettag $0x2  }
0x47: {  	s0 =	rddreg [dreg:$0x0];
	s2 =	stileid.u32  }
0x48: {  	s1 =	rddreg [dreg:$0x1];
	p0 =	sne.s32 s2, $0x0  }
0x49: {  	s3 =	rddreg [dreg:$0x2];
	[bflag:$0x3] =	sbarrier.arrive $0xFFFF;
	s2 =	simm.s32 @!p0 $0x1C01  }
0x4a: {  	[timem:s3], [sflag:s2] =	dma.local @!p0 [hbm:s0], s1  }
0x4b: {  	s0 =	simm.s32 @!p0 $0x1  }
0x4c: {  	_ =	swait.ge @!p0 [sflag:s0], s1  }
0x4d: {  	s1 =	ssub.s32 @!p0 $0x0, s1;
	[sflag:s0] =	ssyncset.done @!p0 $0x0  }
0x4e: {  	[sflag:s0] =	ssyncadd.s32 @!p0 s1  }
0x4f: {  	[bflag:$0x3] =	sbarrier.arrive $0xFFFF  }
0x50: {  	_ =	shalt  }

// kernel: sparse-core-data-format-call.cloned.1.call-start
scs
called_computation_lowered:
.L_overlay_start_0:
0x0: {  	s2 =	sld [smem:$0x3FD9]  }
0x1: {  	s3 =	sld [smem:$0x3FFE];
	_ =	sdelay $0x1  }
0x2: {  	s1 =	srdreg.scid  }
0x3: {  	s0 =	sand.u32 $0x1, s1  }
0x4: {  	s18 =	sshll.u32 s0, $0xA;
	s2 =	sadd.s32 s3, s2  }
0x5: {  	s2 =	sadd.s32 s2, s18  }
0x6: {  	[smem:$0x3FC6] =	sst s2  }
0x7: {  	_ = 	snop  }
0x8: {  	s2 =	sld [smem:$0x3FD0];
	(tm) =	ssettm $0x1  }
0x9: {  	s19 =	sld [smem:$0x3FFB];
	_ =	sdelay $0x3  }
0xa: {  	_ =	strace s19  }
0xb: {  	s3 =	sld [smem:$0x3FFC];
	_ =	sdelay $0x3  }
0xc: {  	_ =	strace s3  }
0xd: {  	s3 =	sld [smem:$0x3FFD];
	_ =	sdelay $0x3  }
0xe: {  	_ =	strace s3  }
0xf: {  	_ =	strace $0x8FFFFFFF  }
0x10: {  	s20 =	sld [smem:$0x3FDB];
	_ =	sdelay $0x1  }
0x11: {  	s4 =	simm.s32 $_scs_section_size  }
0x12: {  	s5 =	simm.s32 $_size__tile_overlayer_lowered;
	s6 =	simm.s32 $_tile_overlayer_lowered  }
0x13: {  	s23 =	simm.s32 $0x1BFF;
	s22 =	sshll.u32 s6, $0x1;
	s3 =	sadd.s32 s4, s20  }
0x14: {  	s7 =	simm.s32 $0x0;
	s21 =	sshll.u32 s5, $0x1;
	s5 =	sadd.s32 s22, s3  }
0x15: {  	[timem:s7], [sflag:s23] =	dma.local [hbm:s5], s21  }
0x16: {  	_ =	swait.ge [sflag:s23], s21  }
0x17: {  	s4 =	ssub.s32 $0x0, s21;
	[sflag:s23] =	ssyncset.done $0x0  }
0x18: {  	[sflag:s23] =	ssyncadd.s32 s4;
	_ =	sdelay $0x1  }
0x19: {  	s24 =	simm.s32 $0x1B8B  }
0x1a: {  	_ =	swait.ge [sflag:s24], $0x1  }
0x1b: {  	[sflag:s24] =	ssyncset.done $0x0  }
0x1c: {  	s26 =	simm.s32 $0x1B8E;
	s25 =	sld [smem:$0x3FFE];
	[sflag:s24] =	ssyncadd.s32 $0xFFFFFFFF  }
0x1d: {  	s27 =	simm.s32 $execute0_lowered;
	[smem:$0x3FD2] =	sst s26  }
0x1e: {  	s5 =	sshll.u32 s27, $0x1;
	_ =	strace $0x8000004C;
	[dreg:$0x1] =	wrdreg $0xFFFFFFFF  }
0x1f: {  	s28 =	simm.s32 $_size_execute0_lowered;
	s3 =	sadd.s32 s3, s5;
	[dreg:$0x0] =	wrdreg $0x0  }
0x20: {  	s5 =	sshll.u32 s28, $0x1;
	[dreg:$0x2] =	wrdreg s3  }
0x21: {  	[dreg:$0x3] =	wrdreg s5  }
0x22: {  	[dreg:$0x4] =	wrdreg $0xC0  }
0x23: {  	_ =	task [dreg:s7], $0x5FFFF  }
0x24: {  	[dreg:$0x1] =	wrdreg $0xFFFFFFFF  }
0x25: {  	[dreg:$0x0] =	wrdreg $0x60  }
0x26: {  	[dreg:$0x2] =	wrdreg s25  }
0x27: {  	[dreg:$0x3] =	wrdreg s2  }
0x28: {  	[dreg:$0x4] =	wrdreg $0x9  }
0x29: {  	_ =	task.clear_ibuf [dreg:s7], $0x5FFFF;
	_ =	strace $0x9000004C  }
0x2a: {  	s29 =	simm.s32 $0x9;
	_ =	strace $0x8000004E  }
0x2b: {  	_ =	swait.ge [sflag:s29], $0x1  }
0x2c: {  	[sflag:s29] =	ssyncadd.s32 $0xFFFFFFFF  }
0x2d: {  	_ =	strace $0x9000004E  }
0x2e: {  	_ =	sfence  }
0x2f: {  	s30 =	sld [smem:$0x0];
	_ =	sdelay $0x2  }
0x30: {  	s31 =	sshll.u32 s1, $0xD;
	s1 =	sshrl.u32 s1, $0x2  }
0x31: {  	s3 =	sand.u32 $0x4000, s31;
	s1 =	sadd.s32 s1, s30  }
0x32: {  	s0 =	sor.u32 s3, s0;
	s1 =	sshll.u32 s1, $0x11  }
0x33: {  	s0 =	sor.u32 s1, s0  }
0x34: {  	s0 =	sadd.s32 $0x8F2B, s0  }
0x35: {  	[sflag:s0] =	ssyncadd.remote.s32 $0x1  }
0x36: {  	_ =	sfence.sel $0xFFFF  }
0x37: {  	[dreg:$0x0] =	wrdreg $0xFFFFFFFF;
	(pc) =	sbr.abs _section_cstart, $3  }
0x38: {  	[dreg:$0x1] =	wrdreg $0xFFFFFFFF  }
0x39: {  	_ =	task.clear_ibuf [dreg:s7], $0x2FFFF;
	_ =	strace $0x9FFFFFFF  }
0x3a: {  	(tm) =	ssettm $0x7FFFFFFF  }
0x3b: {  	_ =	shalt  }
tec
execute0_lowered:
.L_overlay_start_1:
0x0: {  	(tag) =	ssettag $0x1  }
0x1: {  	s8 =	rddreg [dreg:$0x0]  }
0x2: {  	s2 =	rddreg [dreg:$0x1];
	s1 =	stileid.u32  }
0x3: {  	s4 =	srdreg.scid;
	s0 =	rddreg [dreg:$0x2];
	_ =	strace $0x8000004D  }
0x4: {  	s9 =	simm.s32 $0x1;
	s31 =	simm.s32 $0x2;
	s16 =	simm.s32 $0x0  }
0x5: {  	s17 =	simm.s32 $0x0;
	s11 =	simm.s32 $0x0;
	s12 =	simm.s32 $0x0  }
0x6: {  	s15 =	simm.s32 $0x0;
	s3 =	sshll.u32 s1, $0x1;
	s4 =	sshll.u32 s4, $0x7  }
0x7: {  	s4 =	sand.u32 $0x80, s4;
	s5 =	ssub.s32 $0x20, s3;
	s14 =	smov.u32 s3  }
0x8: {  	s6 =	sshrl.u32 s5, $0x5;
	s5 =	sand.u32 $0x1E, s5;
	s7 =	ssub.s32 $0x4000, s4  }
0x9: {  	p0 =	sne.s32 s5, $0x0;
	s30 =	sshrl.u32 s7, $0x7;
	s7 =	sshrl.u32 s7, $0x8  }
.Ltmp0:
0xa: {  	s9 =	simm.s32 @!p0 $0x0;
	s10 =	sand.u32 $0x1, s30;
	(pc) =	sbr.rel .LBB1_1-.Ltmp0, $4  }
0xb: {  	s5 =	simm.s32 $0x1;
	s6 =	sadd.s32 s9, s6;
	s7 =	sadd.s32 s7, s10  }
0xc: {  	s13 =	smov.u32 s4;
	[sflag:s5] =	ssyncpa.u1 $0x0;
	s6 =	smul.u32 s6, s7  }
0xd: {  	p0 =	por $0x0, $0x0;
	[sflag:s31] =	ssyncpa.u1 $0x0;
	s10 =	simm.s32 $0x80000  }
0xe: {  	s7 =	sadd.s32 $0xE00, s8;
	s8 =	sadd.s32 $0x40E00, s8;
	s9 =	sadd.s32 $0x1, s6  }
.LBB1_7:
0xf: {  	p1 =	slt.u32 s15, $0x2  }
0x10: {  	s19 =	smov.u32 s17;
	p2 =	sgt.s32 @!p1 s17, $0x1E;
	s18 =	sshra.s32 @!p1 s17, $0x1F  }
0x11: {  	p3 =	sgt.s32 @!p1 s16, $0x3F80;
	s20 =	sshra.s32 @!p1 s16, $0x1F;
	p2 =	por !p2, p1  }
0x12: {  	s17 =	sand.u32 @!p1 s18, s17;
	p3 =	por !p3, p1;
	s18 =	smov.u32 s16  }
0x13: {  	s16 =	sand.u32 @!p1 s20, s16;
	s19 =	simm.s32 @p2 $0x1E;
	s18 =	simm.s32 @p3 $0x3F80  }
0x14: {  	s20 =	smov.u32 s14;
	s17 =	ssub.s32 @!p1 s19, s17;
	s16 =	ssub.s32 @!p1 s18, s16  }
0x15: {  	s18 =	sadd.s32 @!p1 $0xFFFFFFE2, s17;
	s17 =	ssub.s32 @!p1 $0x20, s17;
	s19 =	sadd.s32 @!p1 $0xFFFFC080, s16  }
0x16: {  	p2 =	sgt.s32 @!p1 s18, $0x1;
	s17 =	smul.u32 @!p1 $0x32, s17;
	p3 =	sgt.s32 @!p1 s19, $0x7F  }
0x17: {  	s16 =	ssub.s32 @!p1 $0x4000, s16;
	p2 =	por !p2, p1;
	p3 =	por !p3, p1  }
0x18: {  	s18 =	sadd.s32 $0x100, s13;
	s17 =	simm.s32 @!p2 $0x0;
	s16 =	simm.s32 @!p3 $0x0  }
0x19: {  	p2 =	sgt.s32 s18, $0x3FFF;
	s16 =	smul.u32 @!p1 s16, s17;
	s17 =	sadd.s32 $0x20, s14  }
0x1a: {  	s20 =	smov.u32 @p2 s17  }
0x1b: {  	s18 =	smov.u32 @p2 s4;
	p2 =	sgt.s32 s20, $0x1F  }
0x1c: {  	s20 =	smov.u32 @p2 s3;
	p2 =	sne.s32 s15, s9  }
.Ltmp1:
0x1d: {  	p0 =	por !p0, !p0;
	s19 =	simm.s32 @!p1 $0x2;
	(pc) =	sbr.rel @!p2 .LBB1_8-.Ltmp1, $4  }
0x1e: {  	s17 =	smov.u32 s12;
	s12 =	smov.u32 s14;
	s16 =	sand.u32 @!p1 $0x3FFFFFFE, s16  }
0x1f: {  	_ =	swait.ge @!p1 [sflag:s19], s16;
	s21 =	ssub.s32 @!p1 $0x0, s16;
	s16 =	smov.u32 s11  }
0x20: {  	s15 =	sadd.s32 $0x1, s15;
	s11 =	smov.u32 s13;
	[sflag:s19] =	ssyncset.done @!p1 $0x0  }
0x21: {  	s13 =	smov.u32 s18;
	s14 =	smov.u32 s20;
	[sflag:s19] =	ssyncadd.s32 @!p1 s21  }
.LBB1_1:
0x22: {  	p1 =	sge.u32 s15, s6  }
0x23: {  	s18 =	sxor.u32 @!p1 $0xFFFFFFFF, s15;
	s19 =	sshll.u32 @!p1 s14, $0x12  }
0x24: {  	s20 =	sshll.u32 @!p1 s13, $0x4;
	s22 =	simm.s32 @!p1 $0x40;
	s23 =	simm.s32 @!p1 $0x80  }
0x25: {  	s18 =	sshll.u32 @!p1 s18, $0xE;
	s20 =	sand.u32 @!p1 $0x3FFF0, s20;
	s21 =	sadd.s32 @!p1 s7, s19  }
0x26: {  	s19 =	sadd.s32 @!p1 s19, s8;
	s18 =	sand.u32 @!p1 $0x4000, s18;
	s21 =	sadd.s32 @!p1 s20, s21  }
0x27: {  	[tilespmem:s18], [sflag:$0x1] =	stream.strided.gather @!p1 [hbm4b:s21+s22], $0x2000, s23, s22, $0x38;
	[tilespmem:$0x10100] =	vst v63  }
0x28: {  	s31 =	sadd.s32 $0xFFFFFFFF, s15;
	s19 =	sadd.s32 @!p1 s20, s19;
	s18 =	sor.u32 @!p1 $0x2000, s18  }
0x29: {  	[tilespmem:s18], [sflag:$0x1] =	stream.strided.gather @!p1 [hbm4b:s19+s22], $0x2000, s23, s22, $0x38;
	[tilespmem:$0x10100] =	vst v63  }
0x2a: {  	p1 =	sge.u32 s31, s6  }
.Ltmp2:
0x2b: {  	_ = 	snop;
	(pc) =	sbr.rel @p1 .LBB1_7-.Ltmp2, $1  }
0x2c: {  	_ =	sdelay $0x3  }
0x2d: {  	s18 =	simm.s32 $0x1;
	s20 =	sand.u32 $0x1, s15  }
0x2e: {  	_ =	swait.ge [sflag:s5], $0x4000;
	s18 =	simm.s32 @!p0 $0x0;
	s20 =	smul.u32 $0x10200, s20  }
0x2f: {  	p2 =	por $0x1, $0x1;
	[sflag:s5] =	ssyncset.done $0x0;
	s19 =	smul.u32 $0x10200, s18  }
0x30: {  	s21 =	sshll.u32 s18, $0x10;
	[sflag:s5] =	ssyncadd.s32 $0xFFFFC000;
	s30 =	sshrl.u32 s20, $0x2  }
0x31: {  	s31 =	sshrl.u32 s21, $0x2;
	s21 =	simm.s32 $0x0;
	s19 =	sshrl.u32 s19, $0x2  }
0x32: {  	s18 =	sor.u32 $0x8000, s30;
	s20 =	sadd.s32 $0x20, s31;
	s19 =	sor.u32 $0x8000, s19  }
.LBB1_3:
0x33: {  	s22 =	sshll.u32 s21, $0xD  }
0x34: {  	s22 =	sand.u32 $0x3FFFE000, s22  }
0x35: {  	s24 =	sadd.s32 s22, s20  }
0x36: {  	s31 =	smul.u32 $0x204, s21;
	v3 =	vld [tilespmem:s24+$0x10]  }
0x37: {  	v1 =	vld [tilespmem:s24+$0xFFFFFFF0]  }
0x38: {  	s21 =	sshra.s32 s31, $0x2;
	v0 =	vld [tilespmem:s24+$0x0]  }
0x39: {  	s21 =	sadd.s32 s21, s19;
	v2 =	vld [tilespmem:s24+$0xFFFFFFE0]  }
0x3a: {  	s22 =	sadd.s32 $0x0, s21  }
0x3b: {  	p1 =	por p2, p2;
	s23 =	simm.s32 $0x4;
	s24 =	sadd.s32 $0x40, s24;
	[tilespmem:s22+$0x3060 ss:$0x102] =	vst.msk $0xffff, v3  }
.LBB1_4:
0x3c: {  	v3 =	vld [tilespmem:s24+$0x10];
	p2 =	sne.s32 s23, $0x1FC;
	[tilespmem:s22+$0x1020 ss:$0x102] =	vst.msk $0xffff, v1;
	s25 =	smov.u32 s23;
	s23 =	sadd.s32 $0x4, s23  }
.Ltmp3:
0x3d: {  	v1 =	vld [tilespmem:s24+$0xFFFFFFF0];
	[tilespmem:s22+$0x2040 ss:$0x102] =	vst.msk $0xffff, v0;
	(pc) =	sbr.rel @p2 .LBB1_4-.Ltmp3, $4  }
0x3e: {  	v0 =	vld [tilespmem:s24+$0x0];
	[tilespmem:s22+$0x0 ss:$0x102] =	vst.msk $0xffff, v2  }
0x3f: {  	s22 =	sshra.s32 s25, $0x2;
	v2 =	vld [tilespmem:s24+$0xFFFFFFE0]  }
0x40: {  	s22 =	sadd.s32 s22, s21  }
0x41: {  	s24 =	sadd.s32 $0x40, s24;
	[tilespmem:s22+$0x3060 ss:$0x102] =	vst.msk $0xffff, v3  }
.Ltmp4:
0x42: {  	(pc) =	sbr.rel @p1 .LBB1_3-.Ltmp4, $4  }
0x43: {  	_ = 	snop  }
0x44: {  	[tilespmem:s22+$0x1020 ss:$0x102] =	vst.msk $0xffff, v1  }
0x45: {  	[tilespmem:s22+$0x2040 ss:$0x102] =	vst.msk $0xffff, v0  }
0x46: {  	s21 =	simm.s32 $0x1;
	p2 =	por $0x0, $0x0;
	[tilespmem:s22+$0x0 ss:$0x102] =	vst.msk $0xffff, v2  }
0x47: {  	s19 =	sand.u32 $0x78, s11;
	p1 =	sgt.s32 s12, $0x1E;
	s20 =	smov.u32 s12  }
0x48: {  	s21 =	sshra.s32 s12, $0x1F;
	s22 =	sshll.u32 s12, $0xE;
	s23 =	sshll.u32 s11, $0x3  }
0x49: {  	s30 =	sshra.s32 s11, $0x1F;
	s25 =	sshll.u32 s12, $0x7;
	s20 =	simm.s32 @!p1 $0x1E  }
0x4a: {  	s21 =	sand.u32 s21, s12;
	s22 =	sand.u32 $0x60000, s22;
	p1 =	sgt.s32 s11, $0x3F80  }
0x4b: {  	s25 =	sand.u32 $0x380, s25;
	s20 =	ssub.s32 s20, s21;
	s21 =	smov.u32 s11  }
0x4c: {  	s22 =	sadd.s32 s22, s23;
	s24 =	sadd.s32 $0xFFFFFFE2, s20;
	s21 =	simm.s32 @!p1 $0x3F80  }
0x4d: {  	s20 =	ssub.s32 $0x20, s20;
	p1 =	sgt.s32 s24, $0x1;
	s24 =	sand.u32 s30, s11  }
0x4e: {  	s23 =	sand.u32 $0x3C00, s23;
	s20 =	smul.u32 $0x32, s20;
	s21 =	ssub.s32 s21, s24  }
0x4f: {  	s19 =	sor.u32 s25, s19;
	s22 =	sand.u32 $0x7C000, s22;
	s24 =	sadd.s32 $0xFFFFC080, s21  }
0x50: {  	s20 =	simm.s32 @p1 $0x0;
	s21 =	ssub.s32 $0x4000, s21;
	p1 =	sgt.s32 s24, $0x7F  }
.Ltmp5:
0x51: {  	s19 =	sor.u32 s23, s19;
	s21 =	simm.s32 @p1 $0x0;
	(pc) =	sbr.rel .LBB1_7-.Ltmp5, $4  }
0x52: {  	s31 =	sand.u32 $0x7, s11;
	s19 =	sor.u32 s22, s19;
	s20 =	smul.u32 s21, s20  }
0x53: {  	s19 =	sshrl.u32 s19, $0x3;
	s21 =	sshll.u32 s31, $0x12  }
0x54: {  	s19 =	sadd.s32 s2, s19;
	s21 =	sor.u32 $0x100, s21;
	s20 =	sand.u32 $0x3FFFFFFE, s20  }
0x55: {  	[hbm4b:s19+s21] =	stream.strided.scatter [tilespmem:s18], [sflag:$0x2], s20, s10, s21, $0x20;
	[tilespmem:$0x10100] =	vst v63  }
.LBB1_8:
0x56: {  	_ =	sfence.sel $0x180000  }
0x57: {  	s2 =	simm.s32 $0x1;
	[bflag:$0x0] =	sbarrier.arrive $0xFFFF  }
0x58: {  	s31 =	simm.s32 $0x2;
	[sflag:s2] =	ssyncpa.u1 $0x1  }
0x59: {  	[sflag:s31] =	ssyncpa.u1 $0x1  }
0x5a: {  	p0 =	sne.s32 s1, $0x0;
	_ =	strace $0x9000004D  }
0x5b: {  	s0 =	sadd.s32 @!p0 $0x100000, s0;
	[bflag:$0x2] =	sbarrier.arrive $0xFFFF  }
0x5c: {  	[sflag:s0] =	ssyncadd.tile.s32 @!p0 $0x1;
	_ =	shalt  }
.Lfunc_end1:
_tile_overlayer_lowered:
.L_overlay_start_2:
0x5d: {  	(tag) =	ssettag $0x2  }
0x5e: {  	s0 =	rddreg [dreg:$0x0];
	s2 =	stileid.u32  }
0x5f: {  	s1 =	rddreg [dreg:$0x1];
	p0 =	sne.s32 s2, $0x0  }
0x60: {  	s3 =	rddreg [dreg:$0x2];
	[bflag:$0x3] =	sbarrier.arrive $0xFFFF;
	s2 =	simm.s32 @!p0 $0x1C01  }
0x61: {  	[timem:s3], [sflag:s2] =	dma.local @!p0 [hbm:s0], s1  }
0x62: {  	s0 =	simm.s32 @!p0 $0x1  }
0x63: {  	_ =	swait.ge @!p0 [sflag:s0], s1  }
0x64: {  	s1 =	ssub.s32 @!p0 $0x0, s1;
	[sflag:s0] =	ssyncset.done @!p0 $0x0  }
0x65: {  	[sflag:s0] =	ssyncadd.s32 @!p0 s1  }
0x66: {  	[bflag:$0x3] =	sbarrier.arrive $0xFFFF  }
0x67: {  	_ =	shalt  }

</sc_bundles>
